<compile_context>
chip_gen: v7x
topology: tpu7x:2x2x1
jax: 0.10.2.dev20260603
libtpu: 0.0.44.dev20260713+nightly
codegen_flags: <defaults>
</compile_context>

<pallas_src>
import jax
import jax.numpy as jnp
from jax import lax
from jax.experimental import pallas as pl
from jax.experimental.pallas import tpu as pltpu
from jax.experimental.pallas import tpu_sc as plsc

_NC = 2
_NS = 16
_NW = _NC * _NS
_L = 16

_B = 16384
_T = 200
_Q = 4
_BQ = _B // _Q
_TASKS = _T * _Q
_PER_W = _TASKS // _NW
_PAIRS = (_PER_W - 1) // 2
_GROUPS = _BQ // _L


def _task_coords(tid):
    t = tid // _Q
    b0 = (tid % _Q) * _BQ
    return t, b0


def _body(g_hbm, tbl_hbm, out_hbm,
          gv0, gv1, ov0, ov1, tv0,
          isem0, isem1, osem0, osem1):
    wid = lax.axis_index("s") * _NC + lax.axis_index("c")
    task0 = wid * _PER_W

    def in_copy(tid, gv, isem):
        t, b0 = _task_coords(tid)
        return pltpu.make_async_copy(g_hbm.at[t, pl.ds(b0, _BQ)], gv, isem)

    def out_copy(tid, ov, osem):
        t, b0 = _task_coords(tid)
        return pltpu.make_async_copy(ov, out_hbm.at[t, :, pl.ds(b0, _BQ)],
                                     osem)

    in_copy(task0, gv0, isem0).start()
    pltpu.sync_copy(tbl_hbm, tv0)

    def compute(gv, ov):
        @plsc.parallel_loop(0, _GROUPS, unroll=8)
        def grp(i):
            gvec = gv[pl.ds(i * _L, _L)]
            g4 = gvec * 4
            for c in range(4):
                idx = g4 if c == 0 else g4 + c
                ov[c, pl.ds(i * _L, _L)] = plsc.load_gather(tv0, [idx])

    in_copy(task0, gv0, isem0).wait()
    in_copy(task0 + 1, gv1, isem1).start()
    compute(gv0, ov0)
    out_copy(task0, ov0, osem0).start()

    def pair(j, carry):
        t1 = task0 + 1 + 2 * j
        in_copy(t1, gv1, isem1).wait()
        in_copy(t1 + 1, gv0, isem0).start()

        @pl.when(j > 0)
        def _():
            out_copy(t1, ov1, osem1).wait()

        compute(gv1, ov1)
        out_copy(t1, ov1, osem1).start()

        t2 = t1 + 1
        in_copy(t2, gv0, isem0).wait()

        @pl.when(j < _PAIRS - 1)
        def _():
            in_copy(t2 + 1, gv1, isem1).start()

        out_copy(t2, ov0, osem0).wait()
        compute(gv0, ov0)
        out_copy(t2, ov0, osem0).start()
        return carry

    lax.fori_loop(0, _PAIRS, pair, 0)
    out_copy(task0 + _PER_W - 2, ov1, osem1).wait()
    out_copy(task0 + _PER_W - 1, ov0, osem0).wait()


@jax.jit
def kernel(g, table):
    tblf = table.reshape(-1)
    mesh = plsc.VectorSubcoreMesh(core_axis_name="c", subcore_axis_name="s")
    run = pl.kernel(
        _body,
        mesh=mesh,
        out_type=jax.ShapeDtypeStruct((_T, 4, _B), jnp.float32),
        scratch_types=[
            pltpu.VMEM((_BQ,), jnp.int32),
            pltpu.VMEM((_BQ,), jnp.int32),
            pltpu.VMEM((4, _BQ), jnp.float32),
            pltpu.VMEM((4, _BQ), jnp.float32),
            pltpu.VMEM((20,), jnp.float32),
            pltpu.SemaphoreType.DMA,
            pltpu.SemaphoreType.DMA,
            pltpu.SemaphoreType.DMA,
            pltpu.SemaphoreType.DMA,
        ],
        compiler_params=pltpu.CompilerParams(needs_layout_passes=False),
    )
    outP = run(g.T, tblf)
    return outP.transpose(2, 0, 1)

# --- scband reference (transcript-rebuilt; emitter-appended) ---
"""Pipeline reference for scband-dpembedding-47949014892659 (READ-ONLY COPY).

The authoritative reference and input builder live on the scoring server;
editing this copy changes nothing except your own understanding.
"""

import jax, jax.numpy as jnp
import numpy as np


def setup_inputs(seed: int = 0) -> dict:
    key = jax.random.key(seed)
    k1, k2 = jax.random.split(key)
    g = jax.random.randint(k1, (16384, 200), 0, 5, dtype=jnp.int64 if jax.config.jax_enable_x64 else jnp.int32).astype(jnp.int32)
    # nn.Embedding(5, 4, padding_idx=0): weight ~ N(0,1), row 0 zeroed
    table = jax.random.normal(k2, (5, 4), dtype=jnp.float32)
    table = table.at[0].set(0.0)
    return {"g": g, "table": table}


def reference(g, table):
    # embedding lookup: out[b, t, :] = table[g[b, t], :]
    return jnp.take(table, g, axis=0)

if __name__ == "__main__":
    import jax
    _d = setup_inputs()
    print(jax.jit(kernel)(*tuple(_d.values())))

</pallas_src>

<mosaic_0001>
#map = affine_map<(d0, d1) -> (0, 0)>
#map1 = affine_map<(d0, d1) -> (0)>
#map2 = affine_map<(d0, d1) -> (0, 0, 0)>
module attributes {stable_mosaic.version = 14 : i64} {
  func.func @_body(%arg0: i32, %arg1: i32, %arg2: memref<200x16384xi32, #tpu.memory_space<hbm>>, %arg3: memref<20xf32, #tpu.memory_space<hbm>>, %arg4: memref<200x4x16384xf32, #tpu.memory_space<hbm>>, %arg5: memref<4096xi32, #tpu.memory_space<vmem>>, %arg6: memref<4096xi32, #tpu.memory_space<vmem>>, %arg7: memref<4x4096xf32, #tpu.memory_space<vmem>>, %arg8: memref<4x4096xf32, #tpu.memory_space<vmem>>, %arg9: memref<20xf32, #tpu.memory_space<vmem>>, %arg10: memref<!tpu.dma_semaphore, #tpu.memory_space<semaphore_mem>>, %arg11: memref<!tpu.dma_semaphore, #tpu.memory_space<semaphore_mem>>, %arg12: memref<!tpu.dma_semaphore, #tpu.memory_space<semaphore_mem>>, %arg13: memref<!tpu.dma_semaphore, #tpu.memory_space<semaphore_mem>>) attributes {dimension_semantics = [#tpu.dimension_semantics<core_parallel>, #tpu.dimension_semantics<subcore_parallel>], iteration_bounds = array<i64: 2, 16>, scalar_prefetch = 0 : i64, scratch_operands = 9 : i64, tpu.core_type = #tpu.core_type<sc_vector_subcore>, window_params = [{transform_indices = #map}, {transform_indices = #map1}, {transform_indices = #map2}]} {
    %mul3A = arith.constant 2 : i32
    %mul3A_0 = arith.muli %arg1, %mul3A : i32
    %add3A = arith.addi %mul3A_0, %arg0 : i32
    %mul3A_1 = arith.constant 25 : i32
    %mul3A_2 = arith.muli %add3A, %mul3A_1 : i32
    %jit3A = arith.constant 4 : i32
    %div3A = arith.divsi %mul3A_2, %jit3A : i32
    %sign3A = arith.constant 0 : i32
    %sign3A_3 = arith.cmpi sgt, %mul3A_2, %sign3A : i32
    %sign3A_4 = arith.extui %sign3A_3 : i1 to i32
    %sign3A_5 = arith.constant 0 : i32
    %sign3A_6 = arith.cmpi slt, %mul3A_2, %sign3A_5 : i32
    %sign3A_7 = arith.extui %sign3A_6 : i1 to i32
    %sign3A_8 = arith.subi %sign3A_4, %sign3A_7 : i32
    %sign3A_9 = arith.constant 0 : i32
    %sign3A_10 = arith.cmpi sgt, %jit3A, %sign3A_9 : i32
    %sign3A_11 = arith.extui %sign3A_10 : i1 to i32
    %sign3A_12 = arith.constant 0 : i32
    %sign3A_13 = arith.cmpi slt, %jit3A, %sign3A_12 : i32
    %sign3A_14 = arith.extui %sign3A_13 : i1 to i32
    %sign3A_15 = arith.subi %sign3A_11, %sign3A_14 : i32
    %ne3A = arith.cmpi ne, %sign3A_8, %sign3A_15 : i32
    %rem3A = arith.remsi %mul3A_2, %jit3A : i32
    %ne3A_16 = arith.constant 0 : i32
    %ne3A_17 = arith.cmpi ne, %rem3A, %ne3A_16 : i32
    %and3A = arith.andi %ne3A, %ne3A_17 : i1
    %sub3A = arith.constant 1 : i32
    %sub3A_18 = arith.subi %div3A, %sub3A : i32
    %select_n3A = arith.select %and3A, %sub3A_18, %div3A : i32
    %jit3A_19 = arith.constant 4 : i32
    %eq3A = arith.constant 0 : i32
    %eq3A_20 = arith.cmpi eq, %jit3A_19, %eq3A : i32
    %jit3A_21 = arith.constant 1 : i32
    %select_n3A_22 = arith.select %eq3A_20, %jit3A_21, %jit3A_19 : i32
    %rem3A_23 = arith.remsi %mul3A_2, %select_n3A_22 : i32
    %ne3A_24 = arith.constant 0 : i32
    %ne3A_25 = arith.cmpi ne, %rem3A_23, %ne3A_24 : i32
    %lt3A = arith.constant 0 : i32
    %lt3A_26 = arith.cmpi slt, %rem3A_23, %lt3A : i32
    %lt3A_27 = arith.constant 0 : i32
    %lt3A_28 = arith.cmpi slt, %select_n3A_22, %lt3A_27 : i32
    %ne3A_29 = arith.xori %lt3A_26, %lt3A_28 : i1
    %and3A_30 = arith.andi %ne3A_29, %ne3A_25 : i1
    %add3A_31 = arith.addi %rem3A_23, %select_n3A_22 : i32
    %select_n3A_32 = arith.select %and3A_30, %add3A_31, %rem3A_23 : i32
    %mul3A_33 = arith.constant 4096 : i32
    %mul3A_34 = arith.muli %select_n3A_32, %mul3A_33 : i32
    %dma_start3A = tpu.memref_slice %arg2[%select_n3A, %mul3A_34] : memref<200x16384xi32, #tpu.memory_space<hbm>> -> memref<1x4096xi32, #tpu.memory_space<hbm>>
    %dma_start3A_35 = tpu.memref_squeeze %dma_start3A : memref<1x4096xi32, #tpu.memory_space<hbm>> -> memref<4096xi32, #tpu.memory_space<hbm>>
    %dma_start3A_36 = tpu.memref_slice %arg2[%select_n3A, %mul3A_34] : memref<200x16384xi32, #tpu.memory_space<hbm>> -> memref<1x4096xi32, #tpu.memory_space<hbm>>
    %dma_start3A_37 = tpu.memref_squeeze %dma_start3A_36 : memref<1x4096xi32, #tpu.memory_space<hbm>> -> memref<4096xi32, #tpu.memory_space<hbm>>
    tpu.enqueue_dma source(%dma_start3A_37 : memref<4096xi32, #tpu.memory_space<hbm>>) target(%arg5 : memref<4096xi32, #tpu.memory_space<vmem>>) target_semaphore(%arg10 : memref<!tpu.dma_semaphore, #tpu.memory_space<semaphore_mem>>)
    "tpu.region"() ({
      %run_scoped3A = tpu.sem_alloc : memref<!tpu.dma_semaphore, #tpu.memory_space<semaphore_mem>>
      tpu.enqueue_dma source(%arg3 : memref<20xf32, #tpu.memory_space<hbm>>) target(%arg9 : memref<20xf32, #tpu.memory_space<vmem>>) target_semaphore(%run_scoped3A : memref<!tpu.dma_semaphore, #tpu.memory_space<semaphore_mem>>)
      tpu.wait_dma2 semaphore(%run_scoped3A : memref<!tpu.dma_semaphore, #tpu.memory_space<semaphore_mem>>) src(%arg3 : memref<20xf32, #tpu.memory_space<hbm>>) dst(%arg9 : memref<20xf32, #tpu.memory_space<vmem>>)
      tpu.yield
    }) : () -> ()
    %jit3A_38 = arith.constant 4 : i32
    %div3A_39 = arith.divsi %mul3A_2, %jit3A_38 : i32
    %sign3A_40 = arith.constant 0 : i32
    %sign3A_41 = arith.cmpi sgt, %mul3A_2, %sign3A_40 : i32
    %sign3A_42 = arith.extui %sign3A_41 : i1 to i32
    %sign3A_43 = arith.constant 0 : i32
    %sign3A_44 = arith.cmpi slt, %mul3A_2, %sign3A_43 : i32
    %sign3A_45 = arith.extui %sign3A_44 : i1 to i32
    %sign3A_46 = arith.subi %sign3A_42, %sign3A_45 : i32
    %sign3A_47 = arith.constant 0 : i32
    %sign3A_48 = arith.cmpi sgt, %jit3A_38, %sign3A_47 : i32
    %sign3A_49 = arith.extui %sign3A_48 : i1 to i32
    %sign3A_50 = arith.constant 0 : i32
    %sign3A_51 = arith.cmpi slt, %jit3A_38, %sign3A_50 : i32
    %sign3A_52 = arith.extui %sign3A_51 : i1 to i32
    %sign3A_53 = arith.subi %sign3A_49, %sign3A_52 : i32
    %ne3A_54 = arith.cmpi ne, %sign3A_46, %sign3A_53 : i32
    %rem3A_55 = arith.remsi %mul3A_2, %jit3A_38 : i32
    %ne3A_56 = arith.constant 0 : i32
    %ne3A_57 = arith.cmpi ne, %rem3A_55, %ne3A_56 : i32
    %and3A_58 = arith.andi %ne3A_54, %ne3A_57 : i1
    %sub3A_59 = arith.constant 1 : i32
    %sub3A_60 = arith.subi %div3A_39, %sub3A_59 : i32
    %select_n3A_61 = arith.select %and3A_58, %sub3A_60, %div3A_39 : i32
    %jit3A_62 = arith.constant 4 : i32
    %eq3A_63 = arith.constant 0 : i32
    %eq3A_64 = arith.cmpi eq, %jit3A_62, %eq3A_63 : i32
    %jit3A_65 = arith.constant 1 : i32
    %select_n3A_66 = arith.select %eq3A_64, %jit3A_65, %jit3A_62 : i32
    %rem3A_67 = arith.remsi %mul3A_2, %select_n3A_66 : i32
    %ne3A_68 = arith.constant 0 : i32
    %ne3A_69 = arith.cmpi ne, %rem3A_67, %ne3A_68 : i32
    %lt3A_70 = arith.constant 0 : i32
    %lt3A_71 = arith.cmpi slt, %rem3A_67, %lt3A_70 : i32
    %lt3A_72 = arith.constant 0 : i32
    %lt3A_73 = arith.cmpi slt, %select_n3A_66, %lt3A_72 : i32
    %ne3A_74 = arith.xori %lt3A_71, %lt3A_73 : i1
    %and3A_75 = arith.andi %ne3A_74, %ne3A_69 : i1
    %add3A_76 = arith.addi %rem3A_67, %select_n3A_66 : i32
    %select_n3A_77 = arith.select %and3A_75, %add3A_76, %rem3A_67 : i32
    %mul3A_78 = arith.constant 4096 : i32
    %mul3A_79 = arith.muli %select_n3A_77, %mul3A_78 : i32
    %dma_wait3A = tpu.memref_slice %arg2[%select_n3A_61, %mul3A_79] : memref<200x16384xi32, #tpu.memory_space<hbm>> -> memref<1x4096xi32, #tpu.memory_space<hbm>>
    %dma_wait3A_80 = tpu.memref_squeeze %dma_wait3A : memref<1x4096xi32, #tpu.memory_space<hbm>> -> memref<4096xi32, #tpu.memory_space<hbm>>
    %dma_wait3A_81 = tpu.memref_slice %arg2[%select_n3A_61, %mul3A_79] : memref<200x16384xi32, #tpu.memory_space<hbm>> -> memref<1x4096xi32, #tpu.memory_space<hbm>>
    %dma_wait3A_82 = tpu.memref_squeeze %dma_wait3A_81 : memref<1x4096xi32, #tpu.memory_space<hbm>> -> memref<4096xi32, #tpu.memory_space<hbm>>
    tpu.wait_dma2 semaphore(%arg10 : memref<!tpu.dma_semaphore, #tpu.memory_space<semaphore_mem>>) src(%dma_wait3A_82 : memref<4096xi32, #tpu.memory_space<hbm>>) dst(%arg5 : memref<4096xi32, #tpu.memory_space<vmem>>)
    %add3A_83 = arith.constant 1 : i32
    %add3A_84 = arith.addi %mul3A_2, %add3A_83 : i32
    %jit3A_85 = arith.constant 4 : i32
    %div3A_86 = arith.divsi %add3A_84, %jit3A_85 : i32
    %sign3A_87 = arith.constant 0 : i32
    %sign3A_88 = arith.cmpi sgt, %add3A_84, %sign3A_87 : i32
    %sign3A_89 = arith.extui %sign3A_88 : i1 to i32
    %sign3A_90 = arith.constant 0 : i32
    %sign3A_91 = arith.cmpi slt, %add3A_84, %sign3A_90 : i32
    %sign3A_92 = arith.extui %sign3A_91 : i1 to i32
    %sign3A_93 = arith.subi %sign3A_89, %sign3A_92 : i32
    %sign3A_94 = arith.constant 0 : i32
    %sign3A_95 = arith.cmpi sgt, %jit3A_85, %sign3A_94 : i32
    %sign3A_96 = arith.extui %sign3A_95 : i1 to i32
    %sign3A_97 = arith.constant 0 : i32
    %sign3A_98 = arith.cmpi slt, %jit3A_85, %sign3A_97 : i32
    %sign3A_99 = arith.extui %sign3A_98 : i1 to i32
    %sign3A_100 = arith.subi %sign3A_96, %sign3A_99 : i32
    %ne3A_101 = arith.cmpi ne, %sign3A_93, %sign3A_100 : i32
    %rem3A_102 = arith.remsi %add3A_84, %jit3A_85 : i32
    %ne3A_103 = arith.constant 0 : i32
    %ne3A_104 = arith.cmpi ne, %rem3A_102, %ne3A_103 : i32
    %and3A_105 = arith.andi %ne3A_101, %ne3A_104 : i1
    %sub3A_106 = arith.constant 1 : i32
    %sub3A_107 = arith.subi %div3A_86, %sub3A_106 : i32
    %select_n3A_108 = arith.select %and3A_105, %sub3A_107, %div3A_86 : i32
    %jit3A_109 = arith.constant 4 : i32
    %eq3A_110 = arith.constant 0 : i32
    %eq3A_111 = arith.cmpi eq, %jit3A_109, %eq3A_110 : i32
    %jit3A_112 = arith.constant 1 : i32
    %select_n3A_113 = arith.select %eq3A_111, %jit3A_112, %jit3A_109 : i32
    %rem3A_114 = arith.remsi %add3A_84, %select_n3A_113 : i32
    %ne3A_115 = arith.constant 0 : i32
    %ne3A_116 = arith.cmpi ne, %rem3A_114, %ne3A_115 : i32
    %lt3A_117 = arith.constant 0 : i32
    %lt3A_118 = arith.cmpi slt, %rem3A_114, %lt3A_117 : i32
    %lt3A_119 = arith.constant 0 : i32
    %lt3A_120 = arith.cmpi slt, %select_n3A_113, %lt3A_119 : i32
    %ne3A_121 = arith.xori %lt3A_118, %lt3A_120 : i1
    %and3A_122 = arith.andi %ne3A_121, %ne3A_116 : i1
    %add3A_123 = arith.addi %rem3A_114, %select_n3A_113 : i32
    %select_n3A_124 = arith.select %and3A_122, %add3A_123, %rem3A_114 : i32
    %mul3A_125 = arith.constant 4096 : i32
    %mul3A_126 = arith.muli %select_n3A_124, %mul3A_125 : i32
    %dma_start3A_127 = tpu.memref_slice %arg2[%select_n3A_108, %mul3A_126] : memref<200x16384xi32, #tpu.memory_space<hbm>> -> memref<1x4096xi32, #tpu.memory_space<hbm>>
    %dma_start3A_128 = tpu.memref_squeeze %dma_start3A_127 : memref<1x4096xi32, #tpu.memory_space<hbm>> -> memref<4096xi32, #tpu.memory_space<hbm>>
    %dma_start3A_129 = tpu.memref_slice %arg2[%select_n3A_108, %mul3A_126] : memref<200x16384xi32, #tpu.memory_space<hbm>> -> memref<1x4096xi32, #tpu.memory_space<hbm>>
    %dma_start3A_130 = tpu.memref_squeeze %dma_start3A_129 : memref<1x4096xi32, #tpu.memory_space<hbm>> -> memref<4096xi32, #tpu.memory_space<hbm>>
    tpu.enqueue_dma source(%dma_start3A_130 : memref<4096xi32, #tpu.memory_space<hbm>>) target(%arg6 : memref<4096xi32, #tpu.memory_space<vmem>>) target_semaphore(%arg11 : memref<!tpu.dma_semaphore, #tpu.memory_space<semaphore_mem>>)
    %parallel_loop3A = arith.constant 0 : i32
    %parallel_loop3A_131 = arith.constant 256 : i32
    %parallel_loop3A_132 = arith.constant 1 : i32
    scf.for %parallel_loop3A_290 = %parallel_loop3A to %parallel_loop3A_131 step %parallel_loop3A_132  : i32 {
      %parallel_loop3A_291 = arith.constant 16 : i32
      %parallel_loop3A_292 = arith.muli %parallel_loop3A_290, %parallel_loop3A_291 : i32
      %parallel_loop3A_293 = arith.index_cast %parallel_loop3A_292 : i32 to index
      %parallel_loop3A_294 = tpu.vector_load %arg5[%parallel_loop3A_293] {strides = array<i32>} : memref<4096xi32, #tpu.memory_space<vmem>>, vector<16xi32>,
      %parallel_loop3A_295 = arith.constant 4 : i32
      %parallel_loop3A_296 = vector.broadcast %parallel_loop3A_295 : i32 to vector<16xi32>
      %parallel_loop3A_297 = arith.muli %parallel_loop3A_294, %parallel_loop3A_296 : vector<16xi32>
      %parallel_loop3A_298 = tpu.vector_load_idx %arg9[%parallel_loop3A_297] : memref<20xf32, #tpu.memory_space<vmem>>[vector<16xi32>], vector<16xf32>,
      %parallel_loop3A_299 = arith.constant 16 : i32
      %parallel_loop3A_300 = arith.muli %parallel_loop3A_290, %parallel_loop3A_299 : i32
      %parallel_loop3A_301 = arith.constant 0 : i32
      %parallel_loop3A_302 = arith.index_cast %parallel_loop3A_301 : i32 to index
      %parallel_loop3A_303 = arith.index_cast %parallel_loop3A_300 : i32 to index
      %parallel_loop3A_304 = tpu.vector_load %arg7[%parallel_loop3A_302, %parallel_loop3A_303] {strides = array<i32>} : memref<4x4096xf32, #tpu.memory_space<vmem>>, vector<16xf32>,
      tpu.vector_store %arg7[%parallel_loop3A_302, %parallel_loop3A_303], %parallel_loop3A_298 {strides = array<i32>} : memref<4x4096xf32, #tpu.memory_space<vmem>>, vector<16xf32>,
      %parallel_loop3A_305 = arith.constant 1 : i32
      %parallel_loop3A_306 = vector.broadcast %parallel_loop3A_305 : i32 to vector<16xi32>
      %parallel_loop3A_307 = arith.addi %parallel_loop3A_297, %parallel_loop3A_306 : vector<16xi32>
      %parallel_loop3A_308 = tpu.vector_load_idx %arg9[%parallel_loop3A_307] : memref<20xf32, #tpu.memory_space<vmem>>[vector<16xi32>], vector<16xf32>,
      %parallel_loop3A_309 = arith.constant 16 : i32
      %parallel_loop3A_310 = arith.muli %parallel_loop3A_290, %parallel_loop3A_309 : i32
      %parallel_loop3A_311 = arith.constant 1 : i32
      %parallel_loop3A_312 = arith.index_cast %parallel_loop3A_311 : i32 to index
      %parallel_loop3A_313 = arith.index_cast %parallel_loop3A_310 : i32 to index
      %parallel_loop3A_314 = tpu.vector_load %arg7[%parallel_loop3A_312, %parallel_loop3A_313] {strides = array<i32>} : memref<4x4096xf32, #tpu.memory_space<vmem>>, vector<16xf32>,
      tpu.vector_store %arg7[%parallel_loop3A_312, %parallel_loop3A_313], %parallel_loop3A_308 {strides = array<i32>} : memref<4x4096xf32, #tpu.memory_space<vmem>>, vector<16xf32>,
      %parallel_loop3A_315 = arith.constant 2 : i32
      %parallel_loop3A_316 = vector.broadcast %parallel_loop3A_315 : i32 to vector<16xi32>
      %parallel_loop3A_317 = arith.addi %parallel_loop3A_297, %parallel_loop3A_316 : vector<16xi32>
      %parallel_loop3A_318 = tpu.vector_load_idx %arg9[%parallel_loop3A_317] : memref<20xf32, #tpu.memory_space<vmem>>[vector<16xi32>], vector<16xf32>,
      %parallel_loop3A_319 = arith.constant 16 : i32
      %parallel_loop3A_320 = arith.muli %parallel_loop3A_290, %parallel_loop3A_319 : i32
      %parallel_loop3A_321 = arith.constant 2 : i32
      %parallel_loop3A_322 = arith.index_cast %parallel_loop3A_321 : i32 to index
      %parallel_loop3A_323 = arith.index_cast %parallel_loop3A_320 : i32 to index
      %parallel_loop3A_324 = tpu.vector_load %arg7[%parallel_loop3A_322, %parallel_loop3A_323] {strides = array<i32>} : memref<4x4096xf32, #tpu.memory_space<vmem>>, vector<16xf32>,
      tpu.vector_store %arg7[%parallel_loop3A_322, %parallel_loop3A_323], %parallel_loop3A_318 {strides = array<i32>} : memref<4x4096xf32, #tpu.memory_space<vmem>>, vector<16xf32>,
      %parallel_loop3A_325 = arith.constant 3 : i32
      %parallel_loop3A_326 = vector.broadcast %parallel_loop3A_325 : i32 to vector<16xi32>
      %parallel_loop3A_327 = arith.addi %parallel_loop3A_297, %parallel_loop3A_326 : vector<16xi32>
      %parallel_loop3A_328 = tpu.vector_load_idx %arg9[%parallel_loop3A_327] : memref<20xf32, #tpu.memory_space<vmem>>[vector<16xi32>], vector<16xf32>,
      %parallel_loop3A_329 = arith.constant 16 : i32
      %parallel_loop3A_330 = arith.muli %parallel_loop3A_290, %parallel_loop3A_329 : i32
      %parallel_loop3A_331 = arith.constant 3 : i32
      %parallel_loop3A_332 = arith.index_cast %parallel_loop3A_331 : i32 to index
      %parallel_loop3A_333 = arith.index_cast %parallel_loop3A_330 : i32 to index
      %parallel_loop3A_334 = tpu.vector_load %arg7[%parallel_loop3A_332, %parallel_loop3A_333] {strides = array<i32>} : memref<4x4096xf32, #tpu.memory_space<vmem>>, vector<16xf32>,
      tpu.vector_store %arg7[%parallel_loop3A_332, %parallel_loop3A_333], %parallel_loop3A_328 {strides = array<i32>} : memref<4x4096xf32, #tpu.memory_space<vmem>>, vector<16xf32>,
    } {sc.loop_unroll_factor = 8 : i64, sc.parallel_access}
    %jit3A_133 = arith.constant 4 : i32
    %div3A_134 = arith.divsi %mul3A_2, %jit3A_133 : i32
    %sign3A_135 = arith.constant 0 : i32
    %sign3A_136 = arith.cmpi sgt, %mul3A_2, %sign3A_135 : i32
    %sign3A_137 = arith.extui %sign3A_136 : i1 to i32
    %sign3A_138 = arith.constant 0 : i32
    %sign3A_139 = arith.cmpi slt, %mul3A_2, %sign3A_138 : i32
    %sign3A_140 = arith.extui %sign3A_139 : i1 to i32
    %sign3A_141 = arith.subi %sign3A_137, %sign3A_140 : i32
    %sign3A_142 = arith.constant 0 : i32
    %sign3A_143 = arith.cmpi sgt, %jit3A_133, %sign3A_142 : i32
    %sign3A_144 = arith.extui %sign3A_143 : i1 to i32
    %sign3A_145 = arith.constant 0 : i32
    %sign3A_146 = arith.cmpi slt, %jit3A_133, %sign3A_145 : i32
    %sign3A_147 = arith.extui %sign3A_146 : i1 to i32
    %sign3A_148 = arith.subi %sign3A_144, %sign3A_147 : i32
    %ne3A_149 = arith.cmpi ne, %sign3A_141, %sign3A_148 : i32
    %rem3A_150 = arith.remsi %mul3A_2, %jit3A_133 : i32
    %ne3A_151 = arith.constant 0 : i32
    %ne3A_152 = arith.cmpi ne, %rem3A_150, %ne3A_151 : i32
    %and3A_153 = arith.andi %ne3A_149, %ne3A_152 : i1
    %sub3A_154 = arith.constant 1 : i32
    %sub3A_155 = arith.subi %div3A_134, %sub3A_154 : i32
    %select_n3A_156 = arith.select %and3A_153, %sub3A_155, %div3A_134 : i32
    %jit3A_157 = arith.constant 4 : i32
    %eq3A_158 = arith.constant 0 : i32
    %eq3A_159 = arith.cmpi eq, %jit3A_157, %eq3A_158 : i32
    %jit3A_160 = arith.constant 1 : i32
    %select_n3A_161 = arith.select %eq3A_159, %jit3A_160, %jit3A_157 : i32
    %rem3A_162 = arith.remsi %mul3A_2, %select_n3A_161 : i32
    %ne3A_163 = arith.constant 0 : i32
    %ne3A_164 = arith.cmpi ne, %rem3A_162, %ne3A_163 : i32
    %lt3A_165 = arith.constant 0 : i32
    %lt3A_166 = arith.cmpi slt, %rem3A_162, %lt3A_165 : i32
    %lt3A_167 = arith.constant 0 : i32
    %lt3A_168 = arith.cmpi slt, %select_n3A_161, %lt3A_167 : i32
    %ne3A_169 = arith.xori %lt3A_166, %lt3A_168 : i1
    %and3A_170 = arith.andi %ne3A_169, %ne3A_164 : i1
    %add3A_171 = arith.addi %rem3A_162, %select_n3A_161 : i32
    %select_n3A_172 = arith.select %and3A_170, %add3A_171, %rem3A_162 : i32
    %mul3A_173 = arith.constant 4096 : i32
    %mul3A_174 = arith.muli %select_n3A_172, %mul3A_173 : i32
    %dma_start3A_175 = arith.constant 0 : i32
    %dma_start3A_176 = tpu.memref_slice %arg4[%select_n3A_156, %dma_start3A_175, %mul3A_174] : memref<200x4x16384xf32, #tpu.memory_space<hbm>> -> memref<1x4x4096xf32, #tpu.memory_space<hbm>>
    %dma_start3A_177 = tpu.memref_squeeze %dma_start3A_176 : memref<1x4x4096xf32, #tpu.memory_space<hbm>> -> memref<4x4096xf32, #tpu.memory_space<hbm>>
    %dma_start3A_178 = arith.constant 0 : i32
    %dma_start3A_179 = tpu.memref_slice %arg4[%select_n3A_156, %dma_start3A_178, %mul3A_174] : memref<200x4x16384xf32, #tpu.memory_space<hbm>> -> memref<1x4x4096xf32, #tpu.memory_space<hbm>>
    %dma_start3A_180 = tpu.memref_squeeze %dma_start3A_179 : memref<1x4x4096xf32, #tpu.memory_space<hbm>> -> memref<4x4096xf32, #tpu.memory_space<hbm>>
    tpu.enqueue_dma source(%arg7 : memref<4x4096xf32, #tpu.memory_space<vmem>>) target(%dma_start3A_180 : memref<4x4096xf32, #tpu.memory_space<hbm>>) target_semaphore(%arg12 : memref<!tpu.dma_semaphore, #tpu.memory_space<semaphore_mem>>)
    %scan3A = arith.constant 0 : i32
    %scan3A_181 = arith.constant 0 : i32
    %scan3A_182 = arith.constant 12 : i32
    %scan3A_183 = arith.addi %scan3A_181, %scan3A_182 : i32
    %scan3A_184 = arith.constant 1 : i32
    scf.for %scan3A_290 = %scan3A_181 to %scan3A_183 step %scan3A_184  : i32 {
      %add3A_291 = arith.constant 1 : i32
      %add3A_292 = arith.addi %mul3A_2, %add3A_291 : i32
      %mul3A_293 = arith.constant 2 : i32
      %mul3A_294 = arith.muli %mul3A_293, %scan3A_290 : i32
      %add3A_295 = arith.addi %add3A_292, %mul3A_294 : i32
      %jit3A_296 = arith.constant 4 : i32
      %div3A_297 = arith.divsi %add3A_295, %jit3A_296 : i32
      %sign3A_298 = arith.constant 0 : i32
      %sign3A_299 = arith.cmpi sgt, %add3A_295, %sign3A_298 : i32
      %sign3A_300 = arith.extui %sign3A_299 : i1 to i32
      %sign3A_301 = arith.constant 0 : i32
      %sign3A_302 = arith.cmpi slt, %add3A_295, %sign3A_301 : i32
      %sign3A_303 = arith.extui %sign3A_302 : i1 to i32
      %sign3A_304 = arith.subi %sign3A_300, %sign3A_303 : i32
      %sign3A_305 = arith.constant 0 : i32
      %sign3A_306 = arith.cmpi sgt, %jit3A_296, %sign3A_305 : i32
      %sign3A_307 = arith.extui %sign3A_306 : i1 to i32
      %sign3A_308 = arith.constant 0 : i32
      %sign3A_309 = arith.cmpi slt, %jit3A_296, %sign3A_308 : i32
      %sign3A_310 = arith.extui %sign3A_309 : i1 to i32
      %sign3A_311 = arith.subi %sign3A_307, %sign3A_310 : i32
      %ne3A_312 = arith.cmpi ne, %sign3A_304, %sign3A_311 : i32
      %rem3A_313 = arith.remsi %add3A_295, %jit3A_296 : i32
      %ne3A_314 = arith.constant 0 : i32
      %ne3A_315 = arith.cmpi ne, %rem3A_313, %ne3A_314 : i32
      %and3A_316 = arith.andi %ne3A_312, %ne3A_315 : i1
      %sub3A_317 = arith.constant 1 : i32
      %sub3A_318 = arith.subi %div3A_297, %sub3A_317 : i32
      %select_n3A_319 = arith.select %and3A_316, %sub3A_318, %div3A_297 : i32
      %jit3A_320 = arith.constant 4 : i32
      %eq3A_321 = arith.constant 0 : i32
      %eq3A_322 = arith.cmpi eq, %jit3A_320, %eq3A_321 : i32
      %jit3A_323 = arith.constant 1 : i32
      %select_n3A_324 = arith.select %eq3A_322, %jit3A_323, %jit3A_320 : i32
      %rem3A_325 = arith.remsi %add3A_295, %select_n3A_324 : i32
      %ne3A_326 = arith.constant 0 : i32
      %ne3A_327 = arith.cmpi ne, %rem3A_325, %ne3A_326 : i32
      %lt3A_328 = arith.constant 0 : i32
      %lt3A_329 = arith.cmpi slt, %rem3A_325, %lt3A_328 : i32
      %lt3A_330 = arith.constant 0 : i32
      %lt3A_331 = arith.cmpi slt, %select_n3A_324, %lt3A_330 : i32
      %ne3A_332 = arith.xori %lt3A_329, %lt3A_331 : i1
      %and3A_333 = arith.andi %ne3A_332, %ne3A_327 : i1
      %add3A_334 = arith.addi %rem3A_325, %select_n3A_324 : i32
      %select_n3A_335 = arith.select %and3A_333, %add3A_334, %rem3A_325 : i32
      %mul3A_336 = arith.constant 4096 : i32
      %mul3A_337 = arith.muli %select_n3A_335, %mul3A_336 : i32
      %dma_wait3A_338 = tpu.memref_slice %arg2[%select_n3A_319, %mul3A_337] : memref<200x16384xi32, #tpu.memory_space<hbm>> -> memref<1x4096xi32, #tpu.memory_space<hbm>>
      %dma_wait3A_339 = tpu.memref_squeeze %dma_wait3A_338 : memref<1x4096xi32, #tpu.memory_space<hbm>> -> memref<4096xi32, #tpu.memory_space<hbm>>
      %dma_wait3A_340 = tpu.memref_slice %arg2[%select_n3A_319, %mul3A_337] : memref<200x16384xi32, #tpu.memory_space<hbm>> -> memref<1x4096xi32, #tpu.memory_space<hbm>>
      %dma_wait3A_341 = tpu.memref_squeeze %dma_wait3A_340 : memref<1x4096xi32, #tpu.memory_space<hbm>> -> memref<4096xi32, #tpu.memory_space<hbm>>
      tpu.wait_dma2 semaphore(%arg11 : memref<!tpu.dma_semaphore, #tpu.memory_space<semaphore_mem>>) src(%dma_wait3A_341 : memref<4096xi32, #tpu.memory_space<hbm>>) dst(%arg6 : memref<4096xi32, #tpu.memory_space<vmem>>)
      %add3A_342 = arith.constant 1 : i32
      %add3A_343 = arith.addi %add3A_295, %add3A_342 : i32
      %jit3A_344 = arith.constant 4 : i32
      %div3A_345 = arith.divsi %add3A_343, %jit3A_344 : i32
      %sign3A_346 = arith.constant 0 : i32
      %sign3A_347 = arith.cmpi sgt, %add3A_343, %sign3A_346 : i32
      %sign3A_348 = arith.extui %sign3A_347 : i1 to i32
      %sign3A_349 = arith.constant 0 : i32
      %sign3A_350 = arith.cmpi slt, %add3A_343, %sign3A_349 : i32
      %sign3A_351 = arith.extui %sign3A_350 : i1 to i32
      %sign3A_352 = arith.subi %sign3A_348, %sign3A_351 : i32
      %sign3A_353 = arith.constant 0 : i32
      %sign3A_354 = arith.cmpi sgt, %jit3A_344, %sign3A_353 : i32
      %sign3A_355 = arith.extui %sign3A_354 : i1 to i32
      %sign3A_356 = arith.constant 0 : i32
      %sign3A_357 = arith.cmpi slt, %jit3A_344, %sign3A_356 : i32
      %sign3A_358 = arith.extui %sign3A_357 : i1 to i32
      %sign3A_359 = arith.subi %sign3A_355, %sign3A_358 : i32
      %ne3A_360 = arith.cmpi ne, %sign3A_352, %sign3A_359 : i32
      %rem3A_361 = arith.remsi %add3A_343, %jit3A_344 : i32
      %ne3A_362 = arith.constant 0 : i32
      %ne3A_363 = arith.cmpi ne, %rem3A_361, %ne3A_362 : i32
      %and3A_364 = arith.andi %ne3A_360, %ne3A_363 : i1
      %sub3A_365 = arith.constant 1 : i32
      %sub3A_366 = arith.subi %div3A_345, %sub3A_365 : i32
      %select_n3A_367 = arith.select %and3A_364, %sub3A_366, %div3A_345 : i32
      %jit3A_368 = arith.constant 4 : i32
      %eq3A_369 = arith.constant 0 : i32
      %eq3A_370 = arith.cmpi eq, %jit3A_368, %eq3A_369 : i32
      %jit3A_371 = arith.constant 1 : i32
      %select_n3A_372 = arith.select %eq3A_370, %jit3A_371, %jit3A_368 : i32
      %rem3A_373 = arith.remsi %add3A_343, %select_n3A_372 : i32
      %ne3A_374 = arith.constant 0 : i32
      %ne3A_375 = arith.cmpi ne, %rem3A_373, %ne3A_374 : i32
      %lt3A_376 = arith.constant 0 : i32
      %lt3A_377 = arith.cmpi slt, %rem3A_373, %lt3A_376 : i32
      %lt3A_378 = arith.constant 0 : i32
      %lt3A_379 = arith.cmpi slt, %select_n3A_372, %lt3A_378 : i32
      %ne3A_380 = arith.xori %lt3A_377, %lt3A_379 : i1
      %and3A_381 = arith.andi %ne3A_380, %ne3A_375 : i1
      %add3A_382 = arith.addi %rem3A_373, %select_n3A_372 : i32
      %select_n3A_383 = arith.select %and3A_381, %add3A_382, %rem3A_373 : i32
      %mul3A_384 = arith.constant 4096 : i32
      %mul3A_385 = arith.muli %select_n3A_383, %mul3A_384 : i32
      %dma_start3A_386 = tpu.memref_slice %arg2[%select_n3A_367, %mul3A_385] : memref<200x16384xi32, #tpu.memory_space<hbm>> -> memref<1x4096xi32, #tpu.memory_space<hbm>>
      %dma_start3A_387 = tpu.memref_squeeze %dma_start3A_386 : memref<1x4096xi32, #tpu.memory_space<hbm>> -> memref<4096xi32, #tpu.memory_space<hbm>>
      %dma_start3A_388 = tpu.memref_slice %arg2[%select_n3A_367, %mul3A_385] : memref<200x16384xi32, #tpu.memory_space<hbm>> -> memref<1x4096xi32, #tpu.memory_space<hbm>>
      %dma_start3A_389 = tpu.memref_squeeze %dma_start3A_388 : memref<1x4096xi32, #tpu.memory_space<hbm>> -> memref<4096xi32, #tpu.memory_space<hbm>>
      tpu.enqueue_dma source(%dma_start3A_389 : memref<4096xi32, #tpu.memory_space<hbm>>) target(%arg5 : memref<4096xi32, #tpu.memory_space<vmem>>) target_semaphore(%arg10 : memref<!tpu.dma_semaphore, #tpu.memory_space<semaphore_mem>>)
      %gt3A = arith.constant 0 : i32
      %gt3A_390 = arith.cmpi sgt, %scan3A_290, %gt3A : i32
      %convert_element_type3A = arith.extui %gt3A_390 : i1 to i32
      %cond3A = arith.constant 0 : i32
      %cond3A_391 = arith.cmpi ne, %convert_element_type3A, %cond3A : i32
      scf.if %cond3A_391 {
        %jit3A_595 = arith.constant 4 : i32
        %div3A_596 = arith.divsi %add3A_295, %jit3A_595 : i32
        %sign3A_597 = arith.constant 0 : i32
        %sign3A_598 = arith.cmpi sgt, %add3A_295, %sign3A_597 : i32
        %sign3A_599 = arith.extui %sign3A_598 : i1 to i32
        %sign3A_600 = arith.constant 0 : i32
        %sign3A_601 = arith.cmpi slt, %add3A_295, %sign3A_600 : i32
        %sign3A_602 = arith.extui %sign3A_601 : i1 to i32
        %sign3A_603 = arith.subi %sign3A_599, %sign3A_602 : i32
        %sign3A_604 = arith.constant 0 : i32
        %sign3A_605 = arith.cmpi sgt, %jit3A_595, %sign3A_604 : i32
        %sign3A_606 = arith.extui %sign3A_605 : i1 to i32
        %sign3A_607 = arith.constant 0 : i32
        %sign3A_608 = arith.cmpi slt, %jit3A_595, %sign3A_607 : i32
        %sign3A_609 = arith.extui %sign3A_608 : i1 to i32
        %sign3A_610 = arith.subi %sign3A_606, %sign3A_609 : i32
        %ne3A_611 = arith.cmpi ne, %sign3A_603, %sign3A_610 : i32
        %rem3A_612 = arith.remsi %add3A_295, %jit3A_595 : i32
        %ne3A_613 = arith.constant 0 : i32
        %ne3A_614 = arith.cmpi ne, %rem3A_612, %ne3A_613 : i32
        %and3A_615 = arith.andi %ne3A_611, %ne3A_614 : i1
        %sub3A_616 = arith.constant 1 : i32
        %sub3A_617 = arith.subi %div3A_596, %sub3A_616 : i32
        %select_n3A_618 = arith.select %and3A_615, %sub3A_617, %div3A_596 : i32
        %jit3A_619 = arith.constant 4 : i32
        %eq3A_620 = arith.constant 0 : i32
        %eq3A_621 = arith.cmpi eq, %jit3A_619, %eq3A_620 : i32
        %jit3A_622 = arith.constant 1 : i32
        %select_n3A_623 = arith.select %eq3A_621, %jit3A_622, %jit3A_619 : i32
        %rem3A_624 = arith.remsi %add3A_295, %select_n3A_623 : i32
        %ne3A_625 = arith.constant 0 : i32
        %ne3A_626 = arith.cmpi ne, %rem3A_624, %ne3A_625 : i32
        %lt3A_627 = arith.constant 0 : i32
        %lt3A_628 = arith.cmpi slt, %rem3A_624, %lt3A_627 : i32
        %lt3A_629 = arith.constant 0 : i32
        %lt3A_630 = arith.cmpi slt, %select_n3A_623, %lt3A_629 : i32
        %ne3A_631 = arith.xori %lt3A_628, %lt3A_630 : i1
        %and3A_632 = arith.andi %ne3A_631, %ne3A_626 : i1
        %add3A_633 = arith.addi %rem3A_624, %select_n3A_623 : i32
        %select_n3A_634 = arith.select %and3A_632, %add3A_633, %rem3A_624 : i32
        %mul3A_635 = arith.constant 4096 : i32
        %mul3A_636 = arith.muli %select_n3A_634, %mul3A_635 : i32
        %dma_wait3A_637 = arith.constant 0 : i32
        %dma_wait3A_638 = tpu.memref_slice %arg4[%select_n3A_618, %dma_wait3A_637, %mul3A_636] : memref<200x4x16384xf32, #tpu.memory_space<hbm>> -> memref<1x4x4096xf32, #tpu.memory_space<hbm>>
        %dma_wait3A_639 = tpu.memref_squeeze %dma_wait3A_638 : memref<1x4x4096xf32, #tpu.memory_space<hbm>> -> memref<4x4096xf32, #tpu.memory_space<hbm>>
        %dma_wait3A_640 = arith.constant 0 : i32
        %dma_wait3A_641 = tpu.memref_slice %arg4[%select_n3A_618, %dma_wait3A_640, %mul3A_636] : memref<200x4x16384xf32, #tpu.memory_space<hbm>> -> memref<1x4x4096xf32, #tpu.memory_space<hbm>>
        %dma_wait3A_642 = tpu.memref_squeeze %dma_wait3A_641 : memref<1x4x4096xf32, #tpu.memory_space<hbm>> -> memref<4x4096xf32, #tpu.memory_space<hbm>>
        tpu.wait_dma2 semaphore(%arg13 : memref<!tpu.dma_semaphore, #tpu.memory_space<semaphore_mem>>) src(%arg8 : memref<4x4096xf32, #tpu.memory_space<vmem>>) dst(%dma_wait3A_642 : memref<4x4096xf32, #tpu.memory_space<hbm>>)
      } else {
      }
      %parallel_loop3A_392 = arith.constant 0 : i32
      %parallel_loop3A_393 = arith.constant 256 : i32
      %parallel_loop3A_394 = arith.constant 1 : i32
      scf.for %parallel_loop3A_595 = %parallel_loop3A_392 to %parallel_loop3A_393 step %parallel_loop3A_394  : i32 {
        %parallel_loop3A_596 = arith.constant 16 : i32
        %parallel_loop3A_597 = arith.muli %parallel_loop3A_595, %parallel_loop3A_596 : i32
        %parallel_loop3A_598 = arith.index_cast %parallel_loop3A_597 : i32 to index
        %parallel_loop3A_599 = tpu.vector_load %arg6[%parallel_loop3A_598] {strides = array<i32>} : memref<4096xi32, #tpu.memory_space<vmem>>, vector<16xi32>,
        %parallel_loop3A_600 = arith.constant 4 : i32
        %parallel_loop3A_601 = vector.broadcast %parallel_loop3A_600 : i32 to vector<16xi32>
        %parallel_loop3A_602 = arith.muli %parallel_loop3A_599, %parallel_loop3A_601 : vector<16xi32>
        %parallel_loop3A_603 = tpu.vector_load_idx %arg9[%parallel_loop3A_602] : memref<20xf32, #tpu.memory_space<vmem>>[vector<16xi32>], vector<16xf32>,
        %parallel_loop3A_604 = arith.constant 16 : i32
        %parallel_loop3A_605 = arith.muli %parallel_loop3A_595, %parallel_loop3A_604 : i32
        %parallel_loop3A_606 = arith.constant 0 : i32
        %parallel_loop3A_607 = arith.index_cast %parallel_loop3A_606 : i32 to index
        %parallel_loop3A_608 = arith.index_cast %parallel_loop3A_605 : i32 to index
        %parallel_loop3A_609 = tpu.vector_load %arg8[%parallel_loop3A_607, %parallel_loop3A_608] {strides = array<i32>} : memref<4x4096xf32, #tpu.memory_space<vmem>>, vector<16xf32>,
        tpu.vector_store %arg8[%parallel_loop3A_607, %parallel_loop3A_608], %parallel_loop3A_603 {strides = array<i32>} : memref<4x4096xf32, #tpu.memory_space<vmem>>, vector<16xf32>,
        %parallel_loop3A_610 = arith.constant 1 : i32
        %parallel_loop3A_611 = vector.broadcast %parallel_loop3A_610 : i32 to vector<16xi32>
        %parallel_loop3A_612 = arith.addi %parallel_loop3A_602, %parallel_loop3A_611 : vector<16xi32>
        %parallel_loop3A_613 = tpu.vector_load_idx %arg9[%parallel_loop3A_612] : memref<20xf32, #tpu.memory_space<vmem>>[vector<16xi32>], vector<16xf32>,
        %parallel_loop3A_614 = arith.constant 16 : i32
        %parallel_loop3A_615 = arith.muli %parallel_loop3A_595, %parallel_loop3A_614 : i32
        %parallel_loop3A_616 = arith.constant 1 : i32
        %parallel_loop3A_617 = arith.index_cast %parallel_loop3A_616 : i32 to index
        %parallel_loop3A_618 = arith.index_cast %parallel_loop3A_615 : i32 to index
        %parallel_loop3A_619 = tpu.vector_load %arg8[%parallel_loop3A_617, %parallel_loop3A_618] {strides = array<i32>} : memref<4x4096xf32, #tpu.memory_space<vmem>>, vector<16xf32>,
        tpu.vector_store %arg8[%parallel_loop3A_617, %parallel_loop3A_618], %parallel_loop3A_613 {strides = array<i32>} : memref<4x4096xf32, #tpu.memory_space<vmem>>, vector<16xf32>,
        %parallel_loop3A_620 = arith.constant 2 : i32
        %parallel_loop3A_621 = vector.broadcast %parallel_loop3A_620 : i32 to vector<16xi32>
        %parallel_loop3A_622 = arith.addi %parallel_loop3A_602, %parallel_loop3A_621 : vector<16xi32>
        %parallel_loop3A_623 = tpu.vector_load_idx %arg9[%parallel_loop3A_622] : memref<20xf32, #tpu.memory_space<vmem>>[vector<16xi32>], vector<16xf32>,
        %parallel_loop3A_624 = arith.constant 16 : i32
        %parallel_loop3A_625 = arith.muli %parallel_loop3A_595, %parallel_loop3A_624 : i32
        %parallel_loop3A_626 = arith.constant 2 : i32
        %parallel_loop3A_627 = arith.index_cast %parallel_loop3A_626 : i32 to index
        %parallel_loop3A_628 = arith.index_cast %parallel_loop3A_625 : i32 to index
        %parallel_loop3A_629 = tpu.vector_load %arg8[%parallel_loop3A_627, %parallel_loop3A_628] {strides = array<i32>} : memref<4x4096xf32, #tpu.memory_space<vmem>>, vector<16xf32>,
        tpu.vector_store %arg8[%parallel_loop3A_627, %parallel_loop3A_628], %parallel_loop3A_623 {strides = array<i32>} : memref<4x4096xf32, #tpu.memory_space<vmem>>, vector<16xf32>,
        %parallel_loop3A_630 = arith.constant 3 : i32
        %parallel_loop3A_631 = vector.broadcast %parallel_loop3A_630 : i32 to vector<16xi32>
        %parallel_loop3A_632 = arith.addi %parallel_loop3A_602, %parallel_loop3A_631 : vector<16xi32>
        %parallel_loop3A_633 = tpu.vector_load_idx %arg9[%parallel_loop3A_632] : memref<20xf32, #tpu.memory_space<vmem>>[vector<16xi32>], vector<16xf32>,
        %parallel_loop3A_634 = arith.constant 16 : i32
        %parallel_loop3A_635 = arith.muli %parallel_loop3A_595, %parallel_loop3A_634 : i32
        %parallel_loop3A_636 = arith.constant 3 : i32
        %parallel_loop3A_637 = arith.index_cast %parallel_loop3A_636 : i32 to index
        %parallel_loop3A_638 = arith.index_cast %parallel_loop3A_635 : i32 to index
        %parallel_loop3A_639 = tpu.vector_load %arg8[%parallel_loop3A_637, %parallel_loop3A_638] {strides = array<i32>} : memref<4x4096xf32, #tpu.memory_space<vmem>>, vector<16xf32>,
        tpu.vector_store %arg8[%parallel_loop3A_637, %parallel_loop3A_638], %parallel_loop3A_633 {strides = array<i32>} : memref<4x4096xf32, #tpu.memory_space<vmem>>, vector<16xf32>,
      } {sc.loop_unroll_factor = 8 : i64, sc.parallel_access}
      %jit3A_395 = arith.constant 4 : i32
      %div3A_396 = arith.divsi %add3A_295, %jit3A_395 : i32
      %sign3A_397 = arith.constant 0 : i32
      %sign3A_398 = arith.cmpi sgt, %add3A_295, %sign3A_397 : i32
      %sign3A_399 = arith.extui %sign3A_398 : i1 to i32
      %sign3A_400 = arith.constant 0 : i32
      %sign3A_401 = arith.cmpi slt, %add3A_295, %sign3A_400 : i32
      %sign3A_402 = arith.extui %sign3A_401 : i1 to i32
      %sign3A_403 = arith.subi %sign3A_399, %sign3A_402 : i32
      %sign3A_404 = arith.constant 0 : i32
      %sign3A_405 = arith.cmpi sgt, %jit3A_395, %sign3A_404 : i32
      %sign3A_406 = arith.extui %sign3A_405 : i1 to i32
      %sign3A_407 = arith.constant 0 : i32
      %sign3A_408 = arith.cmpi slt, %jit3A_395, %sign3A_407 : i32
      %sign3A_409 = arith.extui %sign3A_408 : i1 to i32
      %sign3A_410 = arith.subi %sign3A_406, %sign3A_409 : i32
      %ne3A_411 = arith.cmpi ne, %sign3A_403, %sign3A_410 : i32
      %rem3A_412 = arith.remsi %add3A_295, %jit3A_395 : i32
      %ne3A_413 = arith.constant 0 : i32
      %ne3A_414 = arith.cmpi ne, %rem3A_412, %ne3A_413 : i32
      %and3A_415 = arith.andi %ne3A_411, %ne3A_414 : i1
      %sub3A_416 = arith.constant 1 : i32
      %sub3A_417 = arith.subi %div3A_396, %sub3A_416 : i32
      %select_n3A_418 = arith.select %and3A_415, %sub3A_417, %div3A_396 : i32
      %jit3A_419 = arith.constant 4 : i32
      %eq3A_420 = arith.constant 0 : i32
      %eq3A_421 = arith.cmpi eq, %jit3A_419, %eq3A_420 : i32
      %jit3A_422 = arith.constant 1 : i32
      %select_n3A_423 = arith.select %eq3A_421, %jit3A_422, %jit3A_419 : i32
      %rem3A_424 = arith.remsi %add3A_295, %select_n3A_423 : i32
      %ne3A_425 = arith.constant 0 : i32
      %ne3A_426 = arith.cmpi ne, %rem3A_424, %ne3A_425 : i32
      %lt3A_427 = arith.constant 0 : i32
      %lt3A_428 = arith.cmpi slt, %rem3A_424, %lt3A_427 : i32
      %lt3A_429 = arith.constant 0 : i32
      %lt3A_430 = arith.cmpi slt, %select_n3A_423, %lt3A_429 : i32
      %ne3A_431 = arith.xori %lt3A_428, %lt3A_430 : i1
      %and3A_432 = arith.andi %ne3A_431, %ne3A_426 : i1
      %add3A_433 = arith.addi %rem3A_424, %select_n3A_423 : i32
      %select_n3A_434 = arith.select %and3A_432, %add3A_433, %rem3A_424 : i32
      %mul3A_435 = arith.constant 4096 : i32
      %mul3A_436 = arith.muli %select_n3A_434, %mul3A_435 : i32
      %dma_start3A_437 = arith.constant 0 : i32
      %dma_start3A_438 = tpu.memref_slice %arg4[%select_n3A_418, %dma_start3A_437, %mul3A_436] : memref<200x4x16384xf32, #tpu.memory_space<hbm>> -> memref<1x4x4096xf32, #tpu.memory_space<hbm>>
      %dma_start3A_439 = tpu.memref_squeeze %dma_start3A_438 : memref<1x4x4096xf32, #tpu.memory_space<hbm>> -> memref<4x4096xf32, #tpu.memory_space<hbm>>
      %dma_start3A_440 = arith.constant 0 : i32
      %dma_start3A_441 = tpu.memref_slice %arg4[%select_n3A_418, %dma_start3A_440, %mul3A_436] : memref<200x4x16384xf32, #tpu.memory_space<hbm>> -> memref<1x4x4096xf32, #tpu.memory_space<hbm>>
      %dma_start3A_442 = tpu.memref_squeeze %dma_start3A_441 : memref<1x4x4096xf32, #tpu.memory_space<hbm>> -> memref<4x4096xf32, #tpu.memory_space<hbm>>
      tpu.enqueue_dma source(%arg8 : memref<4x4096xf32, #tpu.memory_space<vmem>>) target(%dma_start3A_442 : memref<4x4096xf32, #tpu.memory_space<hbm>>) target_semaphore(%arg13 : memref<!tpu.dma_semaphore, #tpu.memory_space<semaphore_mem>>)
      %add3A_443 = arith.constant 1 : i32
      %add3A_444 = arith.addi %add3A_295, %add3A_443 : i32
      %jit3A_445 = arith.constant 4 : i32
      %div3A_446 = arith.divsi %add3A_444, %jit3A_445 : i32
      %sign3A_447 = arith.constant 0 : i32
      %sign3A_448 = arith.cmpi sgt, %add3A_444, %sign3A_447 : i32
      %sign3A_449 = arith.extui %sign3A_448 : i1 to i32
      %sign3A_450 = arith.constant 0 : i32
      %sign3A_451 = arith.cmpi slt, %add3A_444, %sign3A_450 : i32
      %sign3A_452 = arith.extui %sign3A_451 : i1 to i32
      %sign3A_453 = arith.subi %sign3A_449, %sign3A_452 : i32
      %sign3A_454 = arith.constant 0 : i32
      %sign3A_455 = arith.cmpi sgt, %jit3A_445, %sign3A_454 : i32
      %sign3A_456 = arith.extui %sign3A_455 : i1 to i32
      %sign3A_457 = arith.constant 0 : i32
      %sign3A_458 = arith.cmpi slt, %jit3A_445, %sign3A_457 : i32
      %sign3A_459 = arith.extui %sign3A_458 : i1 to i32
      %sign3A_460 = arith.subi %sign3A_456, %sign3A_459 : i32
      %ne3A_461 = arith.cmpi ne, %sign3A_453, %sign3A_460 : i32
      %rem3A_462 = arith.remsi %add3A_444, %jit3A_445 : i32
      %ne3A_463 = arith.constant 0 : i32
      %ne3A_464 = arith.cmpi ne, %rem3A_462, %ne3A_463 : i32
      %and3A_465 = arith.andi %ne3A_461, %ne3A_464 : i1
      %sub3A_466 = arith.constant 1 : i32
      %sub3A_467 = arith.subi %div3A_446, %sub3A_466 : i32
      %select_n3A_468 = arith.select %and3A_465, %sub3A_467, %div3A_446 : i32
      %jit3A_469 = arith.constant 4 : i32
      %eq3A_470 = arith.constant 0 : i32
      %eq3A_471 = arith.cmpi eq, %jit3A_469, %eq3A_470 : i32
      %jit3A_472 = arith.constant 1 : i32
      %select_n3A_473 = arith.select %eq3A_471, %jit3A_472, %jit3A_469 : i32
      %rem3A_474 = arith.remsi %add3A_444, %select_n3A_473 : i32
      %ne3A_475 = arith.constant 0 : i32
      %ne3A_476 = arith.cmpi ne, %rem3A_474, %ne3A_475 : i32
      %lt3A_477 = arith.constant 0 : i32
      %lt3A_478 = arith.cmpi slt, %rem3A_474, %lt3A_477 : i32
      %lt3A_479 = arith.constant 0 : i32
      %lt3A_480 = arith.cmpi slt, %select_n3A_473, %lt3A_479 : i32
      %ne3A_481 = arith.xori %lt3A_478, %lt3A_480 : i1
      %and3A_482 = arith.andi %ne3A_481, %ne3A_476 : i1
      %add3A_483 = arith.addi %rem3A_474, %select_n3A_473 : i32
      %select_n3A_484 = arith.select %and3A_482, %add3A_483, %rem3A_474 : i32
      %mul3A_485 = arith.constant 4096 : i32
      %mul3A_486 = arith.muli %select_n3A_484, %mul3A_485 : i32
      %dma_wait3A_487 = tpu.memref_slice %arg2[%select_n3A_468, %mul3A_486] : memref<200x16384xi32, #tpu.memory_space<hbm>> -> memref<1x4096xi32, #tpu.memory_space<hbm>>
      %dma_wait3A_488 = tpu.memref_squeeze %dma_wait3A_487 : memref<1x4096xi32, #tpu.memory_space<hbm>> -> memref<4096xi32, #tpu.memory_space<hbm>>
      %dma_wait3A_489 = tpu.memref_slice %arg2[%select_n3A_468, %mul3A_486] : memref<200x16384xi32, #tpu.memory_space<hbm>> -> memref<1x4096xi32, #tpu.memory_space<hbm>>
      %dma_wait3A_490 = tpu.memref_squeeze %dma_wait3A_489 : memref<1x4096xi32, #tpu.memory_space<hbm>> -> memref<4096xi32, #tpu.memory_space<hbm>>
      tpu.wait_dma2 semaphore(%arg10 : memref<!tpu.dma_semaphore, #tpu.memory_space<semaphore_mem>>) src(%dma_wait3A_490 : memref<4096xi32, #tpu.memory_space<hbm>>) dst(%arg5 : memref<4096xi32, #tpu.memory_space<vmem>>)
      %lt3A_491 = arith.constant 11 : i32
      %lt3A_492 = arith.cmpi slt, %scan3A_290, %lt3A_491 : i32
      %convert_element_type3A_493 = arith.extui %lt3A_492 : i1 to i32
      %cond3A_494 = arith.constant 0 : i32
      %cond3A_495 = arith.cmpi ne, %convert_element_type3A_493, %cond3A_494 : i32
      scf.if %cond3A_495 {
        %add3A_595 = arith.constant 1 : i32
        %add3A_596 = arith.addi %add3A_444, %add3A_595 : i32
        %jit3A_597 = arith.constant 4 : i32
        %div3A_598 = arith.divsi %add3A_596, %jit3A_597 : i32
        %sign3A_599 = arith.constant 0 : i32
        %sign3A_600 = arith.cmpi sgt, %add3A_596, %sign3A_599 : i32
        %sign3A_601 = arith.extui %sign3A_600 : i1 to i32
        %sign3A_602 = arith.constant 0 : i32
        %sign3A_603 = arith.cmpi slt, %add3A_596, %sign3A_602 : i32
        %sign3A_604 = arith.extui %sign3A_603 : i1 to i32
        %sign3A_605 = arith.subi %sign3A_601, %sign3A_604 : i32
        %sign3A_606 = arith.constant 0 : i32
        %sign3A_607 = arith.cmpi sgt, %jit3A_597, %sign3A_606 : i32
        %sign3A_608 = arith.extui %sign3A_607 : i1 to i32
        %sign3A_609 = arith.constant 0 : i32
        %sign3A_610 = arith.cmpi slt, %jit3A_597, %sign3A_609 : i32
        %sign3A_611 = arith.extui %sign3A_610 : i1 to i32
        %sign3A_612 = arith.subi %sign3A_608, %sign3A_611 : i32
        %ne3A_613 = arith.cmpi ne, %sign3A_605, %sign3A_612 : i32
        %rem3A_614 = arith.remsi %add3A_596, %jit3A_597 : i32
        %ne3A_615 = arith.constant 0 : i32
        %ne3A_616 = arith.cmpi ne, %rem3A_614, %ne3A_615 : i32
        %and3A_617 = arith.andi %ne3A_613, %ne3A_616 : i1
        %sub3A_618 = arith.constant 1 : i32
        %sub3A_619 = arith.subi %div3A_598, %sub3A_618 : i32
        %select_n3A_620 = arith.select %and3A_617, %sub3A_619, %div3A_598 : i32
        %jit3A_621 = arith.constant 4 : i32
        %eq3A_622 = arith.constant 0 : i32
        %eq3A_623 = arith.cmpi eq, %jit3A_621, %eq3A_622 : i32
        %jit3A_624 = arith.constant 1 : i32
        %select_n3A_625 = arith.select %eq3A_623, %jit3A_624, %jit3A_621 : i32
        %rem3A_626 = arith.remsi %add3A_596, %select_n3A_625 : i32
        %ne3A_627 = arith.constant 0 : i32
        %ne3A_628 = arith.cmpi ne, %rem3A_626, %ne3A_627 : i32
        %lt3A_629 = arith.constant 0 : i32
        %lt3A_630 = arith.cmpi slt, %rem3A_626, %lt3A_629 : i32
        %lt3A_631 = arith.constant 0 : i32
        %lt3A_632 = arith.cmpi slt, %select_n3A_625, %lt3A_631 : i32
        %ne3A_633 = arith.xori %lt3A_630, %lt3A_632 : i1
        %and3A_634 = arith.andi %ne3A_633, %ne3A_628 : i1
        %add3A_635 = arith.addi %rem3A_626, %select_n3A_625 : i32
        %select_n3A_636 = arith.select %and3A_634, %add3A_635, %rem3A_626 : i32
        %mul3A_637 = arith.constant 4096 : i32
        %mul3A_638 = arith.muli %select_n3A_636, %mul3A_637 : i32
        %dma_start3A_639 = tpu.memref_slice %arg2[%select_n3A_620, %mul3A_638] : memref<200x16384xi32, #tpu.memory_space<hbm>> -> memref<1x4096xi32, #tpu.memory_space<hbm>>
        %dma_start3A_640 = tpu.memref_squeeze %dma_start3A_639 : memref<1x4096xi32, #tpu.memory_space<hbm>> -> memref<4096xi32, #tpu.memory_space<hbm>>
        %dma_start3A_641 = tpu.memref_slice %arg2[%select_n3A_620, %mul3A_638] : memref<200x16384xi32, #tpu.memory_space<hbm>> -> memref<1x4096xi32, #tpu.memory_space<hbm>>
        %dma_start3A_642 = tpu.memref_squeeze %dma_start3A_641 : memref<1x4096xi32, #tpu.memory_space<hbm>> -> memref<4096xi32, #tpu.memory_space<hbm>>
        tpu.enqueue_dma source(%dma_start3A_642 : memref<4096xi32, #tpu.memory_space<hbm>>) target(%arg6 : memref<4096xi32, #tpu.memory_space<vmem>>) target_semaphore(%arg11 : memref<!tpu.dma_semaphore, #tpu.memory_space<semaphore_mem>>)
      } else {
      }
      %jit3A_496 = arith.constant 4 : i32
      %div3A_497 = arith.divsi %add3A_444, %jit3A_496 : i32
      %sign3A_498 = arith.constant 0 : i32
      %sign3A_499 = arith.cmpi sgt, %add3A_444, %sign3A_498 : i32
      %sign3A_500 = arith.extui %sign3A_499 : i1 to i32
      %sign3A_501 = arith.constant 0 : i32
      %sign3A_502 = arith.cmpi slt, %add3A_444, %sign3A_501 : i32
      %sign3A_503 = arith.extui %sign3A_502 : i1 to i32
      %sign3A_504 = arith.subi %sign3A_500, %sign3A_503 : i32
      %sign3A_505 = arith.constant 0 : i32
      %sign3A_506 = arith.cmpi sgt, %jit3A_496, %sign3A_505 : i32
      %sign3A_507 = arith.extui %sign3A_506 : i1 to i32
      %sign3A_508 = arith.constant 0 : i32
      %sign3A_509 = arith.cmpi slt, %jit3A_496, %sign3A_508 : i32
      %sign3A_510 = arith.extui %sign3A_509 : i1 to i32
      %sign3A_511 = arith.subi %sign3A_507, %sign3A_510 : i32
      %ne3A_512 = arith.cmpi ne, %sign3A_504, %sign3A_511 : i32
      %rem3A_513 = arith.remsi %add3A_444, %jit3A_496 : i32
      %ne3A_514 = arith.constant 0 : i32
      %ne3A_515 = arith.cmpi ne, %rem3A_513, %ne3A_514 : i32
      %and3A_516 = arith.andi %ne3A_512, %ne3A_515 : i1
      %sub3A_517 = arith.constant 1 : i32
      %sub3A_518 = arith.subi %div3A_497, %sub3A_517 : i32
      %select_n3A_519 = arith.select %and3A_516, %sub3A_518, %div3A_497 : i32
      %jit3A_520 = arith.constant 4 : i32
      %eq3A_521 = arith.constant 0 : i32
      %eq3A_522 = arith.cmpi eq, %jit3A_520, %eq3A_521 : i32
      %jit3A_523 = arith.constant 1 : i32
      %select_n3A_524 = arith.select %eq3A_522, %jit3A_523, %jit3A_520 : i32
      %rem3A_525 = arith.remsi %add3A_444, %select_n3A_524 : i32
      %ne3A_526 = arith.constant 0 : i32
      %ne3A_527 = arith.cmpi ne, %rem3A_525, %ne3A_526 : i32
      %lt3A_528 = arith.constant 0 : i32
      %lt3A_529 = arith.cmpi slt, %rem3A_525, %lt3A_528 : i32
      %lt3A_530 = arith.constant 0 : i32
      %lt3A_531 = arith.cmpi slt, %select_n3A_524, %lt3A_530 : i32
      %ne3A_532 = arith.xori %lt3A_529, %lt3A_531 : i1
      %and3A_533 = arith.andi %ne3A_532, %ne3A_527 : i1
      %add3A_534 = arith.addi %rem3A_525, %select_n3A_524 : i32
      %select_n3A_535 = arith.select %and3A_533, %add3A_534, %rem3A_525 : i32
      %mul3A_536 = arith.constant 4096 : i32
      %mul3A_537 = arith.muli %select_n3A_535, %mul3A_536 : i32
      %dma_wait3A_538 = arith.constant 0 : i32
      %dma_wait3A_539 = tpu.memref_slice %arg4[%select_n3A_519, %dma_wait3A_538, %mul3A_537] : memref<200x4x16384xf32, #tpu.memory_space<hbm>> -> memref<1x4x4096xf32, #tpu.memory_space<hbm>>
      %dma_wait3A_540 = tpu.memref_squeeze %dma_wait3A_539 : memref<1x4x4096xf32, #tpu.memory_space<hbm>> -> memref<4x4096xf32, #tpu.memory_space<hbm>>
      %dma_wait3A_541 = arith.constant 0 : i32
      %dma_wait3A_542 = tpu.memref_slice %arg4[%select_n3A_519, %dma_wait3A_541, %mul3A_537] : memref<200x4x16384xf32, #tpu.memory_space<hbm>> -> memref<1x4x4096xf32, #tpu.memory_space<hbm>>
      %dma_wait3A_543 = tpu.memref_squeeze %dma_wait3A_542 : memref<1x4x4096xf32, #tpu.memory_space<hbm>> -> memref<4x4096xf32, #tpu.memory_space<hbm>>
      tpu.wait_dma2 semaphore(%arg12 : memref<!tpu.dma_semaphore, #tpu.memory_space<semaphore_mem>>) src(%arg7 : memref<4x4096xf32, #tpu.memory_space<vmem>>) dst(%dma_wait3A_543 : memref<4x4096xf32, #tpu.memory_space<hbm>>)
      %parallel_loop3A_544 = arith.constant 0 : i32
      %parallel_loop3A_545 = arith.constant 256 : i32
      %parallel_loop3A_546 = arith.constant 1 : i32
      scf.for %parallel_loop3A_595 = %parallel_loop3A_544 to %parallel_loop3A_545 step %parallel_loop3A_546  : i32 {
        %parallel_loop3A_596 = arith.constant 16 : i32
        %parallel_loop3A_597 = arith.muli %parallel_loop3A_595, %parallel_loop3A_596 : i32
        %parallel_loop3A_598 = arith.index_cast %parallel_loop3A_597 : i32 to index
        %parallel_loop3A_599 = tpu.vector_load %arg5[%parallel_loop3A_598] {strides = array<i32>} : memref<4096xi32, #tpu.memory_space<vmem>>, vector<16xi32>,
        %parallel_loop3A_600 = arith.constant 4 : i32
        %parallel_loop3A_601 = vector.broadcast %parallel_loop3A_600 : i32 to vector<16xi32>
        %parallel_loop3A_602 = arith.muli %parallel_loop3A_599, %parallel_loop3A_601 : vector<16xi32>
        %parallel_loop3A_603 = tpu.vector_load_idx %arg9[%parallel_loop3A_602] : memref<20xf32, #tpu.memory_space<vmem>>[vector<16xi32>], vector<16xf32>,
        %parallel_loop3A_604 = arith.constant 16 : i32
        %parallel_loop3A_605 = arith.muli %parallel_loop3A_595, %parallel_loop3A_604 : i32
        %parallel_loop3A_606 = arith.constant 0 : i32
        %parallel_loop3A_607 = arith.index_cast %parallel_loop3A_606 : i32 to index
        %parallel_loop3A_608 = arith.index_cast %parallel_loop3A_605 : i32 to index
        %parallel_loop3A_609 = tpu.vector_load %arg7[%parallel_loop3A_607, %parallel_loop3A_608] {strides = array<i32>} : memref<4x4096xf32, #tpu.memory_space<vmem>>, vector<16xf32>,
        tpu.vector_store %arg7[%parallel_loop3A_607, %parallel_loop3A_608], %parallel_loop3A_603 {strides = array<i32>} : memref<4x4096xf32, #tpu.memory_space<vmem>>, vector<16xf32>,
        %parallel_loop3A_610 = arith.constant 1 : i32
        %parallel_loop3A_611 = vector.broadcast %parallel_loop3A_610 : i32 to vector<16xi32>
        %parallel_loop3A_612 = arith.addi %parallel_loop3A_602, %parallel_loop3A_611 : vector<16xi32>
        %parallel_loop3A_613 = tpu.vector_load_idx %arg9[%parallel_loop3A_612] : memref<20xf32, #tpu.memory_space<vmem>>[vector<16xi32>], vector<16xf32>,
        %parallel_loop3A_614 = arith.constant 16 : i32
        %parallel_loop3A_615 = arith.muli %parallel_loop3A_595, %parallel_loop3A_614 : i32
        %parallel_loop3A_616 = arith.constant 1 : i32
        %parallel_loop3A_617 = arith.index_cast %parallel_loop3A_616 : i32 to index
        %parallel_loop3A_618 = arith.index_cast %parallel_loop3A_615 : i32 to index
        %parallel_loop3A_619 = tpu.vector_load %arg7[%parallel_loop3A_617, %parallel_loop3A_618] {strides = array<i32>} : memref<4x4096xf32, #tpu.memory_space<vmem>>, vector<16xf32>,
        tpu.vector_store %arg7[%parallel_loop3A_617, %parallel_loop3A_618], %parallel_loop3A_613 {strides = array<i32>} : memref<4x4096xf32, #tpu.memory_space<vmem>>, vector<16xf32>,
        %parallel_loop3A_620 = arith.constant 2 : i32
        %parallel_loop3A_621 = vector.broadcast %parallel_loop3A_620 : i32 to vector<16xi32>
        %parallel_loop3A_622 = arith.addi %parallel_loop3A_602, %parallel_loop3A_621 : vector<16xi32>
        %parallel_loop3A_623 = tpu.vector_load_idx %arg9[%parallel_loop3A_622] : memref<20xf32, #tpu.memory_space<vmem>>[vector<16xi32>], vector<16xf32>,
        %parallel_loop3A_624 = arith.constant 16 : i32
        %parallel_loop3A_625 = arith.muli %parallel_loop3A_595, %parallel_loop3A_624 : i32
        %parallel_loop3A_626 = arith.constant 2 : i32
        %parallel_loop3A_627 = arith.index_cast %parallel_loop3A_626 : i32 to index
        %parallel_loop3A_628 = arith.index_cast %parallel_loop3A_625 : i32 to index
        %parallel_loop3A_629 = tpu.vector_load %arg7[%parallel_loop3A_627, %parallel_loop3A_628] {strides = array<i32>} : memref<4x4096xf32, #tpu.memory_space<vmem>>, vector<16xf32>,
        tpu.vector_store %arg7[%parallel_loop3A_627, %parallel_loop3A_628], %parallel_loop3A_623 {strides = array<i32>} : memref<4x4096xf32, #tpu.memory_space<vmem>>, vector<16xf32>,
        %parallel_loop3A_630 = arith.constant 3 : i32
        %parallel_loop3A_631 = vector.broadcast %parallel_loop3A_630 : i32 to vector<16xi32>
        %parallel_loop3A_632 = arith.addi %parallel_loop3A_602, %parallel_loop3A_631 : vector<16xi32>
        %parallel_loop3A_633 = tpu.vector_load_idx %arg9[%parallel_loop3A_632] : memref<20xf32, #tpu.memory_space<vmem>>[vector<16xi32>], vector<16xf32>,
        %parallel_loop3A_634 = arith.constant 16 : i32
        %parallel_loop3A_635 = arith.muli %parallel_loop3A_595, %parallel_loop3A_634 : i32
        %parallel_loop3A_636 = arith.constant 3 : i32
        %parallel_loop3A_637 = arith.index_cast %parallel_loop3A_636 : i32 to index
        %parallel_loop3A_638 = arith.index_cast %parallel_loop3A_635 : i32 to index
        %parallel_loop3A_639 = tpu.vector_load %arg7[%parallel_loop3A_637, %parallel_loop3A_638] {strides = array<i32>} : memref<4x4096xf32, #tpu.memory_space<vmem>>, vector<16xf32>,
        tpu.vector_store %arg7[%parallel_loop3A_637, %parallel_loop3A_638], %parallel_loop3A_633 {strides = array<i32>} : memref<4x4096xf32, #tpu.memory_space<vmem>>, vector<16xf32>,
      } {sc.loop_unroll_factor = 8 : i64, sc.parallel_access}
      %jit3A_547 = arith.constant 4 : i32
      %div3A_548 = arith.divsi %add3A_444, %jit3A_547 : i32
      %sign3A_549 = arith.constant 0 : i32
      %sign3A_550 = arith.cmpi sgt, %add3A_444, %sign3A_549 : i32
      %sign3A_551 = arith.extui %sign3A_550 : i1 to i32
      %sign3A_552 = arith.constant 0 : i32
      %sign3A_553 = arith.cmpi slt, %add3A_444, %sign3A_552 : i32
      %sign3A_554 = arith.extui %sign3A_553 : i1 to i32
      %sign3A_555 = arith.subi %sign3A_551, %sign3A_554 : i32
      %sign3A_556 = arith.constant 0 : i32
      %sign3A_557 = arith.cmpi sgt, %jit3A_547, %sign3A_556 : i32
      %sign3A_558 = arith.extui %sign3A_557 : i1 to i32
      %sign3A_559 = arith.constant 0 : i32
      %sign3A_560 = arith.cmpi slt, %jit3A_547, %sign3A_559 : i32
      %sign3A_561 = arith.extui %sign3A_560 : i1 to i32
      %sign3A_562 = arith.subi %sign3A_558, %sign3A_561 : i32
      %ne3A_563 = arith.cmpi ne, %sign3A_555, %sign3A_562 : i32
      %rem3A_564 = arith.remsi %add3A_444, %jit3A_547 : i32
      %ne3A_565 = arith.constant 0 : i32
      %ne3A_566 = arith.cmpi ne, %rem3A_564, %ne3A_565 : i32
      %and3A_567 = arith.andi %ne3A_563, %ne3A_566 : i1
      %sub3A_568 = arith.constant 1 : i32
      %sub3A_569 = arith.subi %div3A_548, %sub3A_568 : i32
      %select_n3A_570 = arith.select %and3A_567, %sub3A_569, %div3A_548 : i32
      %jit3A_571 = arith.constant 4 : i32
      %eq3A_572 = arith.constant 0 : i32
      %eq3A_573 = arith.cmpi eq, %jit3A_571, %eq3A_572 : i32
      %jit3A_574 = arith.constant 1 : i32
      %select_n3A_575 = arith.select %eq3A_573, %jit3A_574, %jit3A_571 : i32
      %rem3A_576 = arith.remsi %add3A_444, %select_n3A_575 : i32
      %ne3A_577 = arith.constant 0 : i32
      %ne3A_578 = arith.cmpi ne, %rem3A_576, %ne3A_577 : i32
      %lt3A_579 = arith.constant 0 : i32
      %lt3A_580 = arith.cmpi slt, %rem3A_576, %lt3A_579 : i32
      %lt3A_581 = arith.constant 0 : i32
      %lt3A_582 = arith.cmpi slt, %select_n3A_575, %lt3A_581 : i32
      %ne3A_583 = arith.xori %lt3A_580, %lt3A_582 : i1
      %and3A_584 = arith.andi %ne3A_583, %ne3A_578 : i1
      %add3A_585 = arith.addi %rem3A_576, %select_n3A_575 : i32
      %select_n3A_586 = arith.select %and3A_584, %add3A_585, %rem3A_576 : i32
      %mul3A_587 = arith.constant 4096 : i32
      %mul3A_588 = arith.muli %select_n3A_586, %mul3A_587 : i32
      %dma_start3A_589 = arith.constant 0 : i32
      %dma_start3A_590 = tpu.memref_slice %arg4[%select_n3A_570, %dma_start3A_589, %mul3A_588] : memref<200x4x16384xf32, #tpu.memory_space<hbm>> -> memref<1x4x4096xf32, #tpu.memory_space<hbm>>
      %dma_start3A_591 = tpu.memref_squeeze %dma_start3A_590 : memref<1x4x4096xf32, #tpu.memory_space<hbm>> -> memref<4x4096xf32, #tpu.memory_space<hbm>>
      %dma_start3A_592 = arith.constant 0 : i32
      %dma_start3A_593 = tpu.memref_slice %arg4[%select_n3A_570, %dma_start3A_592, %mul3A_588] : memref<200x4x16384xf32, #tpu.memory_space<hbm>> -> memref<1x4x4096xf32, #tpu.memory_space<hbm>>
      %dma_start3A_594 = tpu.memref_squeeze %dma_start3A_593 : memref<1x4x4096xf32, #tpu.memory_space<hbm>> -> memref<4x4096xf32, #tpu.memory_space<hbm>>
      tpu.enqueue_dma source(%arg7 : memref<4x4096xf32, #tpu.memory_space<vmem>>) target(%dma_start3A_594 : memref<4x4096xf32, #tpu.memory_space<hbm>>) target_semaphore(%arg12 : memref<!tpu.dma_semaphore, #tpu.memory_space<semaphore_mem>>)
    }
    %scan3A_185 = arith.constant 12 : i32
    %add3A_186 = arith.constant 25 : i32
    %add3A_187 = arith.addi %mul3A_2, %add3A_186 : i32
    %sub3A_188 = arith.constant 2 : i32
    %sub3A_189 = arith.subi %add3A_187, %sub3A_188 : i32
    %jit3A_190 = arith.constant 4 : i32
    %div3A_191 = arith.divsi %sub3A_189, %jit3A_190 : i32
    %sign3A_192 = arith.constant 0 : i32
    %sign3A_193 = arith.cmpi sgt, %sub3A_189, %sign3A_192 : i32
    %sign3A_194 = arith.extui %sign3A_193 : i1 to i32
    %sign3A_195 = arith.constant 0 : i32
    %sign3A_196 = arith.cmpi slt, %sub3A_189, %sign3A_195 : i32
    %sign3A_197 = arith.extui %sign3A_196 : i1 to i32
    %sign3A_198 = arith.subi %sign3A_194, %sign3A_197 : i32
    %sign3A_199 = arith.constant 0 : i32
    %sign3A_200 = arith.cmpi sgt, %jit3A_190, %sign3A_199 : i32
    %sign3A_201 = arith.extui %sign3A_200 : i1 to i32
    %sign3A_202 = arith.constant 0 : i32
    %sign3A_203 = arith.cmpi slt, %jit3A_190, %sign3A_202 : i32
    %sign3A_204 = arith.extui %sign3A_203 : i1 to i32
    %sign3A_205 = arith.subi %sign3A_201, %sign3A_204 : i32
    %ne3A_206 = arith.cmpi ne, %sign3A_198, %sign3A_205 : i32
    %rem3A_207 = arith.remsi %sub3A_189, %jit3A_190 : i32
    %ne3A_208 = arith.constant 0 : i32
    %ne3A_209 = arith.cmpi ne, %rem3A_207, %ne3A_208 : i32
    %and3A_210 = arith.andi %ne3A_206, %ne3A_209 : i1
    %sub3A_211 = arith.constant 1 : i32
    %sub3A_212 = arith.subi %div3A_191, %sub3A_211 : i32
    %select_n3A_213 = arith.select %and3A_210, %sub3A_212, %div3A_191 : i32
    %jit3A_214 = arith.constant 4 : i32
    %eq3A_215 = arith.constant 0 : i32
    %eq3A_216 = arith.cmpi eq, %jit3A_214, %eq3A_215 : i32
    %jit3A_217 = arith.constant 1 : i32
    %select_n3A_218 = arith.select %eq3A_216, %jit3A_217, %jit3A_214 : i32
    %rem3A_219 = arith.remsi %sub3A_189, %select_n3A_218 : i32
    %ne3A_220 = arith.constant 0 : i32
    %ne3A_221 = arith.cmpi ne, %rem3A_219, %ne3A_220 : i32
    %lt3A_222 = arith.constant 0 : i32
    %lt3A_223 = arith.cmpi slt, %rem3A_219, %lt3A_222 : i32
    %lt3A_224 = arith.constant 0 : i32
    %lt3A_225 = arith.cmpi slt, %select_n3A_218, %lt3A_224 : i32
    %ne3A_226 = arith.xori %lt3A_223, %lt3A_225 : i1
    %and3A_227 = arith.andi %ne3A_226, %ne3A_221 : i1
    %add3A_228 = arith.addi %rem3A_219, %select_n3A_218 : i32
    %select_n3A_229 = arith.select %and3A_227, %add3A_228, %rem3A_219 : i32
    %mul3A_230 = arith.constant 4096 : i32
    %mul3A_231 = arith.muli %select_n3A_229, %mul3A_230 : i32
    %dma_wait3A_232 = arith.constant 0 : i32
    %dma_wait3A_233 = tpu.memref_slice %arg4[%select_n3A_213, %dma_wait3A_232, %mul3A_231] : memref<200x4x16384xf32, #tpu.memory_space<hbm>> -> memref<1x4x4096xf32, #tpu.memory_space<hbm>>
    %dma_wait3A_234 = tpu.memref_squeeze %dma_wait3A_233 : memref<1x4x4096xf32, #tpu.memory_space<hbm>> -> memref<4x4096xf32, #tpu.memory_space<hbm>>
    %dma_wait3A_235 = arith.constant 0 : i32
    %dma_wait3A_236 = tpu.memref_slice %arg4[%select_n3A_213, %dma_wait3A_235, %mul3A_231] : memref<200x4x16384xf32, #tpu.memory_space<hbm>> -> memref<1x4x4096xf32, #tpu.memory_space<hbm>>
    %dma_wait3A_237 = tpu.memref_squeeze %dma_wait3A_236 : memref<1x4x4096xf32, #tpu.memory_space<hbm>> -> memref<4x4096xf32, #tpu.memory_space<hbm>>
    tpu.wait_dma2 semaphore(%arg13 : memref<!tpu.dma_semaphore, #tpu.memory_space<semaphore_mem>>) src(%arg8 : memref<4x4096xf32, #tpu.memory_space<vmem>>) dst(%dma_wait3A_237 : memref<4x4096xf32, #tpu.memory_space<hbm>>)
    %add3A_238 = arith.constant 25 : i32
    %add3A_239 = arith.addi %mul3A_2, %add3A_238 : i32
    %sub3A_240 = arith.constant 1 : i32
    %sub3A_241 = arith.subi %add3A_239, %sub3A_240 : i32
    %jit3A_242 = arith.constant 4 : i32
    %div3A_243 = arith.divsi %sub3A_241, %jit3A_242 : i32
    %sign3A_244 = arith.constant 0 : i32
    %sign3A_245 = arith.cmpi sgt, %sub3A_241, %sign3A_244 : i32
    %sign3A_246 = arith.extui %sign3A_245 : i1 to i32
    %sign3A_247 = arith.constant 0 : i32
    %sign3A_248 = arith.cmpi slt, %sub3A_241, %sign3A_247 : i32
    %sign3A_249 = arith.extui %sign3A_248 : i1 to i32
    %sign3A_250 = arith.subi %sign3A_246, %sign3A_249 : i32
    %sign3A_251 = arith.constant 0 : i32
    %sign3A_252 = arith.cmpi sgt, %jit3A_242, %sign3A_251 : i32
    %sign3A_253 = arith.extui %sign3A_252 : i1 to i32
    %sign3A_254 = arith.constant 0 : i32
    %sign3A_255 = arith.cmpi slt, %jit3A_242, %sign3A_254 : i32
    %sign3A_256 = arith.extui %sign3A_255 : i1 to i32
    %sign3A_257 = arith.subi %sign3A_253, %sign3A_256 : i32
    %ne3A_258 = arith.cmpi ne, %sign3A_250, %sign3A_257 : i32
    %rem3A_259 = arith.remsi %sub3A_241, %jit3A_242 : i32
    %ne3A_260 = arith.constant 0 : i32
    %ne3A_261 = arith.cmpi ne, %rem3A_259, %ne3A_260 : i32
    %and3A_262 = arith.andi %ne3A_258, %ne3A_261 : i1
    %sub3A_263 = arith.constant 1 : i32
    %sub3A_264 = arith.subi %div3A_243, %sub3A_263 : i32
    %select_n3A_265 = arith.select %and3A_262, %sub3A_264, %div3A_243 : i32
    %jit3A_266 = arith.constant 4 : i32
    %eq3A_267 = arith.constant 0 : i32
    %eq3A_268 = arith.cmpi eq, %jit3A_266, %eq3A_267 : i32
    %jit3A_269 = arith.constant 1 : i32
    %select_n3A_270 = arith.select %eq3A_268, %jit3A_269, %jit3A_266 : i32
    %rem3A_271 = arith.remsi %sub3A_241, %select_n3A_270 : i32
    %ne3A_272 = arith.constant 0 : i32
    %ne3A_273 = arith.cmpi ne, %rem3A_271, %ne3A_272 : i32
    %lt3A_274 = arith.constant 0 : i32
    %lt3A_275 = arith.cmpi slt, %rem3A_271, %lt3A_274 : i32
    %lt3A_276 = arith.constant 0 : i32
    %lt3A_277 = arith.cmpi slt, %select_n3A_270, %lt3A_276 : i32
    %ne3A_278 = arith.xori %lt3A_275, %lt3A_277 : i1
    %and3A_279 = arith.andi %ne3A_278, %ne3A_273 : i1
    %add3A_280 = arith.addi %rem3A_271, %select_n3A_270 : i32
    %select_n3A_281 = arith.select %and3A_279, %add3A_280, %rem3A_271 : i32
    %mul3A_282 = arith.constant 4096 : i32
    %mul3A_283 = arith.muli %select_n3A_281, %mul3A_282 : i32
    %dma_wait3A_284 = arith.constant 0 : i32
    %dma_wait3A_285 = tpu.memref_slice %arg4[%select_n3A_265, %dma_wait3A_284, %mul3A_283] : memref<200x4x16384xf32, #tpu.memory_space<hbm>> -> memref<1x4x4096xf32, #tpu.memory_space<hbm>>
    %dma_wait3A_286 = tpu.memref_squeeze %dma_wait3A_285 : memref<1x4x4096xf32, #tpu.memory_space<hbm>> -> memref<4x4096xf32, #tpu.memory_space<hbm>>
    %dma_wait3A_287 = arith.constant 0 : i32
    %dma_wait3A_288 = tpu.memref_slice %arg4[%select_n3A_265, %dma_wait3A_287, %mul3A_283] : memref<200x4x16384xf32, #tpu.memory_space<hbm>> -> memref<1x4x4096xf32, #tpu.memory_space<hbm>>
    %dma_wait3A_289 = tpu.memref_squeeze %dma_wait3A_288 : memref<1x4x4096xf32, #tpu.memory_space<hbm>> -> memref<4x4096xf32, #tpu.memory_space<hbm>>
    tpu.wait_dma2 semaphore(%arg12 : memref<!tpu.dma_semaphore, #tpu.memory_space<semaphore_mem>>) src(%arg7 : memref<4x4096xf32, #tpu.memory_space<vmem>>) dst(%dma_wait3A_289 : memref<4x4096xf32, #tpu.memory_space<hbm>>)
    return
  }
}

</mosaic_0001>

<sc_bundles>
// kernel: kernel.3.cloned.1.call-start
scs
__scs_entry_jumppad:
0x0: {  	(pc) =	sbr.rel $0x88, $3  }
0x1: {  	(tag) =	ssettag $0x0;
	lr =	simm.s32 $0x1  }
0x2: {  	[smem:$0x3F9F] =	sst lr;
	_ =	strace $0xD0000000  }
0x3: {  	_ = 	snop  }
0x4: {  	_ = 	snop  }
0x5: {  	_ = 	snop  }
0x6: {  	_ = 	snop  }
0x7: {  	_ = 	snop  }
__scs_overlays_trampoline_lowered:
0x8: {  	[smem:$0x3FAE] =	sst s0  }
0x9: {  	[smem:$0x3FAF] =	sst s1  }
0xa: {  	[smem:$0x3FB0] =	sst s2  }
0xb: {  	[smem:$0x3FB1] =	sst s3  }
0xc: {  	[smem:$0x3FB2] =	sst s4  }
0xd: {  	[smem:$0x3FB3] =	sst s5  }
0xe: {  	[smem:$0x3FB4] =	sst s6  }
0xf: {  	[smem:$0x3FB5] =	sst s7  }
0x10: {  	[smem:$0x3FB6] =	sst s8  }
0x11: {  	[smem:$0x3FB7] =	sst s9;
	s0 =	simm.s32 @!p0 $0x0  }
0x12: {  	s1 =	sld [smem:$0x3F9D];
	s0 =	simm.s32 @p0 $0x1  }
0x13: {  	[smem:$0x3FB8] =	sst s0;
	s0 =	simm.s32 @!p1 $0x0  }
0x14: {  	s2 =	sld [smem:$0x3F9C];
	s0 =	simm.s32 @p1 $0x1  }
0x15: {  	[smem:$0x3FB9] =	sst s0;
	s0 =	simm.s32 @!p2 $0x0  }
0x16: {  	s3 =	sld [smem:$0x3FDB];
	s0 =	simm.s32 @p2 $0x1  }
0x17: {  	s4 =	simm.s32 $0x1BF5;
	[smem:$0x3FBB] =	sst s0  }
0x18: {  	s0 =	sld [smem:$0x3F9E];
	_ =	swait.ge [sflag:s4], $0x0  }
0x19: {  	s7 =	sld [smem:$0x3F9F]  }
0x1a: {  	s8 =	sadd.s32 $0xFFFFE003, lr  }
0x1b: {  	s9 =	sadd.s32 $0xFFFFFEF7, lr;
	s5 =	simm.s32 $0xFFFFFFFF;
	p2 =	slt.u32 s8, $0xFFFFF086  }
0x1c: {  	p1 =	slt.u32 s9, $0xF7A;
	s5 =	simm.s32 @!p2 $0x0  }
0x1d: {  	s5 =	simm.s32 @p1 $0x1;
	p0 =	seq.s32 s7, s2  }
0x1e: {  	s7 =	smul.u32 @!p0 $0xF7A, s2;
	p2 =	seq.s32 @!p0 s5, $0x0  }
0x1f: {  	s9 =	smul.u32 $0xF7A, s1;
	s8 =	simm.s32 @!p0 $0x1BF5;
	p2 =	por !p2, p0  }
0x20: {  	[sflag:s8] =	ssyncset.s32 @!p0 $0xFFFFF086;
	s6 =	sadd.s32 @!p0 s3, s7;
	s7 =	simm.s32 @!p0 $0x108  }
0x21: {  	s3 =	sadd.s32 s3, s9;
	s6 =	sadd.s32 @!p0 $0x88, s6;
	s7 =	simm.s32 @p2 $0x1082  }
0x22: {  	[simem:s7], [sflag:s8] =	dma.local @!p0 [hbm:s6], $0xF7A  }
0x23: {  	s9 =	sor.u32 $0xD0000000, s2;
	s6 =	simm.s32 $0x108;
	_ =	swait.ge @!p0 [sflag:s8], $0x0  }
0x24: {  	s3 =	sadd.s32 $0x88, s3;
	s6 =	simm.s32 @!p1 $0x1082;
	[sflag:s4] =	ssyncset.s32 $0xFFFFF086  }
0x25: {  	[simem:s6], [sflag:s4] =	dma.local [hbm:s3], $0xF7A  }
0x26: {  	[smem:$0x3F9F] =	sst s1;
	(tag) =	ssettag s2;
	_ =	strace s9  }
0x27: {  	s1 =	sld [smem:$0x3FAF]  }
0x28: {  	s2 =	sld [smem:$0x3FB0]  }
0x29: {  	s4 =	sld [smem:$0x3FB2]  }
0x2a: {  	p0 =	seq.s32 s5, $0x0;
	s5 =	sld [smem:$0x3FB3]  }
0x2b: {  	s6 =	sld [smem:$0x3FB4]  }
0x2c: {  	s7 =	sld [smem:$0x3FB5]  }
0x2d: {  	s3 =	simm.s32 $0x108;
	s8 =	sld [smem:$0x3FB6]  }
0x2e: {  	s3 =	simm.s32 @!p0 $0x1082;
	s9 =	sld [smem:$0x3FB7]  }
0x2f: {  	lr =	sadd.s32 s0, s3;
	s0 =	sld [smem:$0x3FAE]  }
0x30: {  	s3 =	sld [smem:$0x3FB1]  }
0x31: {  	[smem:$0x3FBA] =	sst s10  }
0x32: {  	s10 =	sld [smem:$0x3FB8];
	_ =	sdelay $0x3  }
0x33: {  	p0 =	seq.s32 s10, $0x1;
	s10 =	sld [smem:$0x3FBA];
	_ =	sdelay $0x3  }
0x34: {  	[smem:$0x3FBA] =	sst s10  }
0x35: {  	s10 =	sld [smem:$0x3FB9];
	_ =	sdelay $0x3  }
0x36: {  	p1 =	seq.s32 s10, $0x1;
	s10 =	sld [smem:$0x3FBA];
	_ =	sdelay $0x3  }
0x37: {  	[smem:$0x3FBA] =	sst s10  }
0x38: {  	s10 =	sld [smem:$0x3FBB]  }
0x39: {  	_ = 	snop;
	(pc) =	sbr.ind lr, $3  }
0x3a: {  	_ = 	snop  }
0x3b: {  	_ = 	snop  }
0x3c: {  	p2 =	seq.s32 s10, $0x1;
	s10 =	sld [smem:$0x3FBA]  }
0x3d: {  	_ =	shalt  }
0x3e: {  	_ =	shalt  }
0x3f: {  	_ =	shalt  }
0x40: {  	_ =	shalt  }
0x41: {  	_ =	shalt  }
0x42: {  	_ =	shalt  }
0x43: {  	_ =	shalt  }
0x44: {  	_ =	shalt  }
0x45: {  	_ =	shalt  }
0x46: {  	_ =	shalt  }
0x47: {  	_ =	shalt  }
0x48: {  	_ =	shalt  }
0x49: {  	_ =	shalt  }
0x4a: {  	_ =	shalt  }
0x4b: {  	_ =	shalt  }
0x4c: {  	_ =	shalt  }
0x4d: {  	_ =	shalt  }
0x4e: {  	_ =	shalt  }
0x4f: {  	_ =	shalt  }
0x50: {  	_ =	shalt  }
0x51: {  	_ =	shalt  }
0x52: {  	_ =	shalt  }
0x53: {  	_ =	shalt  }
0x54: {  	_ =	shalt  }
0x55: {  	_ =	shalt  }
0x56: {  	_ =	shalt  }
0x57: {  	_ =	shalt  }
0x58: {  	_ =	shalt  }
0x59: {  	_ =	shalt  }
0x5a: {  	_ =	shalt  }
0x5b: {  	_ =	shalt  }
0x5c: {  	_ =	shalt  }
0x5d: {  	_ =	shalt  }
0x5e: {  	_ =	shalt  }
0x5f: {  	_ =	shalt  }
0x60: {  	_ =	shalt  }
0x61: {  	_ =	shalt  }
0x62: {  	_ =	shalt  }
0x63: {  	_ =	shalt  }
0x64: {  	_ =	shalt  }
0x65: {  	_ =	shalt  }
0x66: {  	_ =	shalt  }
0x67: {  	_ =	shalt  }
0x68: {  	_ =	shalt  }
0x69: {  	_ =	shalt  }
0x6a: {  	_ =	shalt  }
0x6b: {  	_ =	shalt  }
0x6c: {  	_ =	shalt  }
0x6d: {  	_ =	shalt  }
0x6e: {  	_ =	shalt  }
0x6f: {  	_ =	shalt  }
0x70: {  	_ =	shalt  }
0x71: {  	_ =	shalt  }
0x72: {  	_ =	shalt  }
0x73: {  	_ =	shalt  }
0x74: {  	_ =	shalt  }
0x75: {  	_ =	shalt  }
0x76: {  	_ =	shalt  }
0x77: {  	_ =	shalt  }
0x78: {  	_ =	shalt  }
0x79: {  	_ =	shalt  }
0x7a: {  	_ =	shalt  }
0x7b: {  	_ =	shalt  }
0x7c: {  	_ =	shalt  }
0x7d: {  	_ =	shalt  }
0x7e: {  	_ =	shalt  }
0x7f: {  	_ =	shalt  }
0x80: {  	_ =	shalt  }
0x81: {  	_ =	shalt  }
0x82: {  	_ =	shalt  }
0x83: {  	_ =	shalt  }
0x84: {  	_ =	shalt  }
0x85: {  	_ =	shalt  }
0x86: {  	_ =	shalt  }
0x87: {  	_ =	shalt  }
.Lfunc_end0:
.L_simem_size_0:
called_computation_lowered:
.L_overlay_start_0:
0x88: {  	s2 =	sld [smem:$0x3FD9]  }
0x89: {  	s3 =	sld [smem:$0x3FFE];
	_ =	sdelay $0x1  }
0x8a: {  	s1 =	srdreg.scid  }
0x8b: {  	s0 =	sand.u32 $0x1, s1  }
0x8c: {  	s17 =	sshll.u32 s0, $0xA;
	s2 =	sadd.s32 s3, s2  }
0x8d: {  	s2 =	sadd.s32 s2, s17  }
0x8e: {  	[smem:$0x3FC6] =	sst s2  }
0x8f: {  	_ = 	snop  }
0x90: {  	s2 =	sld [smem:$0x3FC9]  }
0x91: {  	s18 =	sld [smem:$0x3FD0];
	(tm) =	ssettm $0x1  }
0x92: {  	s4 =	sld [smem:$0x3FFB];
	_ =	sdelay $0x3  }
0x93: {  	_ =	strace s4  }
0x94: {  	s4 =	sld [smem:$0x3FFC];
	_ =	sdelay $0x3  }
0x95: {  	_ =	strace s4  }
0x96: {  	s4 =	sld [smem:$0x3FFD];
	_ =	sdelay $0x3  }
0x97: {  	_ =	strace s4  }
0x98: {  	_ =	strace $0x8FFFFFFF  }
0x99: {  	s19 =	sld [smem:$0x3FDB];
	_ =	sdelay $0x1  }
0x9a: {  	s5 =	simm.s32 $_scs_section_size  }
0x9b: {  	s6 =	simm.s32 $_size__tile_overlayer_lowered;
	s7 =	simm.s32 $_tile_overlayer_lowered  }
0x9c: {  	s22 =	simm.s32 $0x1BFF;
	s21 =	sshll.u32 s7, $0x1;
	s4 =	sadd.s32 s5, s19  }
0x9d: {  	s8 =	simm.s32 $0x0;
	s20 =	sshll.u32 s6, $0x1;
	s6 =	sadd.s32 s21, s4  }
0x9e: {  	[timem:s8], [sflag:s22] =	dma.local [hbm:s6], s20  }
0x9f: {  	_ =	swait.ge [sflag:s22], s20  }
0xa0: {  	s5 =	ssub.s32 $0x0, s20;
	[sflag:s22] =	ssyncset.done $0x0  }
0xa1: {  	[sflag:s22] =	ssyncadd.s32 s5;
	_ =	sdelay $0x1  }
0xa2: {  	s23 =	simm.s32 $0x1B8B  }
0xa3: {  	_ =	swait.ge [sflag:s23], $0x1  }
0xa4: {  	[sflag:s23] =	ssyncset.done $0x0  }
0xa5: {  	s25 =	simm.s32 $0x1B8E;
	s24 =	sld [smem:$0x3FFE];
	[sflag:s23] =	ssyncadd.s32 $0xFFFFFFFF  }
0xa6: {  	s26 =	simm.s32 $execute0_lowered;
	[smem:$0x3FD2] =	sst s25  }
0xa7: {  	s6 =	sshll.u32 s26, $0x1;
	_ =	strace $0x80000046;
	[dreg:$0x1] =	wrdreg $0xFFFFFFFF  }
0xa8: {  	s28 =	simm.s32 $_size_execute0_lowered;
	s4 =	sadd.s32 s4, s6;
	[dreg:$0x0] =	wrdreg $0x0  }
0xa9: {  	s6 =	sshll.u32 s28, $0x1;
	[dreg:$0x2] =	wrdreg s4  }
0xaa: {  	[dreg:$0x3] =	wrdreg s6  }
0xab: {  	[dreg:$0x4] =	wrdreg $0xC0  }
0xac: {  	_ =	task [dreg:s8], $0x5FFFF  }
0xad: {  	[dreg:$0x1] =	wrdreg $0xFFFFFFFF  }
0xae: {  	[dreg:$0x0] =	wrdreg $0x60  }
0xaf: {  	[dreg:$0x2] =	wrdreg s2  }
0xb0: {  	[dreg:$0x3] =	wrdreg s24  }
0xb1: {  	[dreg:$0x4] =	wrdreg s18  }
0xb2: {  	[dreg:$0x5] =	wrdreg $0x9  }
0xb3: {  	_ =	task.clear_ibuf [dreg:s8], $0x6FFFF;
	_ =	strace $0x90000046  }
0xb4: {  	s29 =	simm.s32 $0x9;
	_ =	strace $0x80000048  }
0xb5: {  	_ =	swait.ge [sflag:s29], $0x1  }
0xb6: {  	[sflag:s29] =	ssyncadd.s32 $0xFFFFFFFF  }
0xb7: {  	_ =	strace $0x90000048  }
0xb8: {  	_ =	sfence  }
0xb9: {  	s30 =	sld [smem:$0x0];
	_ =	sdelay $0x2  }
0xba: {  	s31 =	sshll.u32 s1, $0xD;
	s1 =	sshrl.u32 s1, $0x2  }
0xbb: {  	s3 =	sand.u32 $0x4000, s31;
	s1 =	sadd.s32 s1, s30  }
0xbc: {  	s0 =	sor.u32 s3, s0;
	s1 =	sshll.u32 s1, $0x11  }
0xbd: {  	s0 =	sor.u32 s1, s0  }
0xbe: {  	s0 =	sadd.s32 $0x8F2B, s0  }
0xbf: {  	[sflag:s0] =	ssyncadd.remote.s32 $0x1  }
0xc0: {  	_ =	sfence.sel $0xFFFF  }
0xc1: {  	[dreg:$0x0] =	wrdreg $0xFFFFFFFF;
	(pc) =	sbr.abs _section_cstart, $3  }
0xc2: {  	[dreg:$0x1] =	wrdreg $0xFFFFFFFF  }
0xc3: {  	_ =	task.clear_ibuf [dreg:s8], $0x2FFFF;
	_ =	strace $0x9FFFFFFF  }
0xc4: {  	(tm) =	ssettm $0x7FFFFFFF  }
0xc5: {  	_ =	shalt  }
tec
execute0_lowered:
.L_overlay_start_1:
0x0: {  	(tag) =	ssettag $0x1  }
0x1: {  	s1 =	rddreg [dreg:$0x0]  }
0x2: {  	s5 =	rddreg [dreg:$0x1]  }
0x3: {  	s2 =	srdreg.scid;
	s0 =	stileid.u32  }
0x4: {  	s3 =	rddreg [dreg:$0x2];
	s4 =	simm.s32 $0x0;
	s15 =	simm.s32 $0x1  }
0x5: {  	s16 =	simm.s32 $0x1000;
	s17 =	simm.s32 $0x2000;
	s18 =	simm.s32 $0x2  }
0x6: {  	s19 =	simm.s32 $0x6000;
	s20 =	simm.s32 $0x3;
	s21 =	simm.s32 $0x4  }
0x7: {  	s6 =	sand.u32 $0x1, s2;
	s7 =	sshll.u32 s0, $0x1;
	s2 =	rddreg [dreg:$0x3]  }
0x8: {  	s22 =	simm.s32 $0x0;
	[smem:$0x7FF] =	sst s4;
	s7 =	sor.u32 s6, s7  }
0x9: {  	s5 =	sadd.s32 $0x400, s5;
	s6 =	ssub.s32 $0x2, s6;
	s8 =	smul.u32 $0x19, s7  }
0xa: {  	_ =	strace $0x80000047;
	s9 =	sshrl.u32 s6, $0x1;
	s23 =	sshll.u32 s7, $0x5  }
0xb: {  	s10 =	ssub.s32 s6, s9;
	s25 =	sand.u32 $0x60, s23;
	s24 =	sshll.u32 s8, $0x9  }
0xc: {  	s26 =	sshll.u32 s8, $0x2;
	s11 =	sshll.u32 s25, $0x7;
	s6 =	sadd.s32 $0x1, s8  }
0xd: {  	s8 =	sshll.u32 s8, $0xB;
	s9 =	sshll.u32 s25, $0x6;
	s10 =	smax.u32 s10, $0x1  }
0xe: {  	s7 =	sand.u32 $0x7C000, s24;
	s12 =	sand.u32 $0x70, s26;
	s11 =	sadd.s32 s1, s11  }
0xf: {  	s13 =	sshll.u32 s6, $0x9;
	s14 =	sshll.u32 s6, $0xC;
	s30 =	sshll.u32 s6, $0x2  }
0x10: {  	s31 =	sand.u32 $0x1FE000, s8;
	s9 =	sadd.s32 s3, s9;
	s7 =	sadd.s32 s7, s11  }
0x11: {  	s28 =	sand.u32 $0xFC000, s13;
	s29 =	sand.u32 $0x3000, s14;
	s9 =	sadd.s32 s31, s9  }
0x12: {  	s13 =	simm.s32 $0xA000;
	s7 =	sadd.s32 s12, s7;
	s12 =	sand.u32 $0x70, s30  }
0x13: {  	s14 =	simm.s32 $0x5;
	s11 =	sor.u32 s28, s29;
	s12 =	sadd.s32 s1, s12  }
0x14: {  	s8 =	sadd.s32 s11, s12;
	s11 =	simm.s32 $0x80;
	s12 =	simm.s32 $0x400  }
.LBB2_1:
0x15: {  	[tilespmem:s4], [sflag:$0x1] =	stream.strided.gather [hbm4b:s7+s11], $0x1000, s12, s11, $0x38;
	[tilespmem:$0xA080] =	vst v63  }
0x16: {  	_ = 	snop  }
0x17: {  	[tilespmem:s13], [sflag:$0x5] =	stream.linear.gather [hbm4b:s5+s4], $0x80, $0x38;
	[tilespmem:$0xA080] =	vst v63  }
0x18: {  	_ =	swait.ge [sflag:s14], $0x80  }
0x19: {  	[sflag:s14] =	ssyncset.done $0x0  }
0x1a: {  	[sflag:s14] =	ssyncadd.s32 $0xFFFFFF80  }
0x1b: {  	_ =	swait.ge [sflag:s15], $0x1000  }
0x1c: {  	[sflag:s15] =	ssyncset.done $0x0  }
0x1d: {  	s23 =	simm.s32 $0x40;
	[sflag:s15] =	ssyncadd.s32 $0xFFFFF000  }
0x1e: {  	[tilespmem:s16], [sflag:$0x2] =	stream.strided.gather [hbm4b:s8+s11], $0x1000, s12, s11, $0x38;
	[tilespmem:$0xA080] =	vst v63  }
0x1f: {  	v0 =	vld [tilespmem:s23+$0x30]  }
0x20: {  	v1 =	vld [tilespmem:s23+$0xFFFFFFD0]  }
0x21: {  	v2 =	vld [tilespmem:s23+$0xFFFFFFE0]  }
0x22: {  	v3 =	vld [tilespmem:s23+$0xFFFFFFF0]  }
0x23: {  	v4 =	vld [tilespmem:s23+$0x0]  }
0x24: {  	v5 =	vld [tilespmem:s23+$0x10];
	v0 =	vshll.u32 v0, $0x2  }
0x25: {  	v6 =	vld [tilespmem:s23+$0x20];
	v1 =	vshll.u32 v1, $0x2  }
0x26: {  	v7 =	vld [tilespmem:s23+$0xFFFFFFC0];
	v2 =	vshll.u32 v2, $0x2  }
0x27: {  	v3 =	vshll.u32 v3, $0x2  }
0x28: {  	v4 =	vshll.u32 v4, $0x2  }
0x29: {  	v8 =	vshll.u32 v5, $0x2;
	v5 =	vld.idx.msk [tilespmem:v0+s13+$0x0], $0xffff  }
0x2a: {  	v10 =	vshll.u32 v6, $0x2;
	v9 =	vld.idx.msk [tilespmem:v1+s13+$0x0], $0xffff  }
0x2b: {  	v7 =	vshll.u32 v7, $0x2;
	v6 =	vld.idx.msk [tilespmem:v2+s13+$0x0], $0xffff  }
0x2c: {  	v11 =	vor.u32 $0x1, v0;
	v12 =	vld.idx.msk [tilespmem:v3+s13+$0x0], $0xffff  }
0x2d: {  	v13 =	vor.u32 $0x1, v1;
	v14 =	vld.idx.msk [tilespmem:v4+s13+$0x0], $0xffff  }
0x2e: {  	s23 =	simm.s32 $0x2100;
	v15 =	vor.u32 $0x1, v2;
	v16 =	vld.idx.msk [tilespmem:v8+s13+$0x0], $0xffff  }
0x2f: {  	v17 =	vor.u32 $0x1, v3;
	v18 =	vld.idx.msk [tilespmem:v10+s13+$0x0], $0xffff;
	[tilespmem:s23+$0xFFFFFF70] =	vst v5  }
0x30: {  	v48 =	vor.u32 $0x1, v8;
	v19 =	vld.idx.msk [tilespmem:v7+s13+$0x0], $0xffff;
	[tilespmem:s23+$0xFFFFFF10] =	vst v9  }
0x31: {  	v50 =	vor.u32 $0x1, v7;
	[tilespmem:s23+$0xFFFFFF20] =	vst v6;
	v47 =	vld.idx.msk [tilespmem:v11+s13+$0x0], $0xffff  }
0x32: {  	v5 =	vor.u32 $0x1, v4;
	[tilespmem:s23+$0xFFFFFF30] =	vst v12;
	v6 =	vld.idx.msk [tilespmem:v13+s13+$0x0], $0xffff  }
0x33: {  	v51 =	vor.u32 $0x1, v10;
	[tilespmem:s23+$0xFFFFFF40] =	vst v14;
	v15 =	vld.idx.msk [tilespmem:v15+s13+$0x0], $0xffff  }
0x34: {  	v49 =	vor.u32 $0x2, v0;
	[tilespmem:s23+$0xFFFFFF50] =	vst v16;
	v17 =	vld.idx.msk [tilespmem:v17+s13+$0x0], $0xffff  }
0x35: {  	v52 =	vor.u32 $0x2, v1;
	[tilespmem:s23+$0xFFFFFF00] =	vst v19;
	v11 =	vld.idx.msk [tilespmem:v48+s13+$0x0], $0xffff  }
0x36: {  	v53 =	vor.u32 $0x2, v2;
	[tilespmem:s23+$0xFFFFFF60] =	vst v18;
	v13 =	vld.idx.msk [tilespmem:v50+s13+$0x0], $0xffff  }
0x37: {  	v54 =	vor.u32 $0x2, v3;
	v5 =	vld.idx.msk [tilespmem:v5+s13+$0x0], $0xffff;
	[tilespmem:s23+$0xFFFFFFF0] =	vst v47  }
0x38: {  	v56 =	vor.u32 $0x2, v7;
	[tilespmem:s23+$0xFFFFFF90] =	vst v6;
	v6 =	vld.idx.msk [tilespmem:v51+s13+$0x0], $0xffff  }
0x39: {  	v58 =	vor.u32 $0x2, v8;
	[tilespmem:s23+$0xFFFFFFA0] =	vst v15;
	v12 =	vld.idx.msk [tilespmem:v49+s13+$0x0], $0xffff  }
0x3a: {  	v55 =	vor.u32 $0x2, v4;
	[tilespmem:s23+$0xFFFFFFB0] =	vst v17;
	v57 =	vld.idx.msk [tilespmem:v52+s13+$0x0], $0xffff  }
0x3b: {  	v0 =	vor.u32 $0x3, v0;
	[tilespmem:s23+$0xFFFFFFD0] =	vst v11;
	v59 =	vld.idx.msk [tilespmem:v53+s13+$0x0], $0xffff  }
0x3c: {  	v1 =	vor.u32 $0x3, v1;
	[tilespmem:s23+$0xFFFFFF80] =	vst v13;
	v9 =	vld.idx.msk [tilespmem:v54+s13+$0x0], $0xffff  }
0x3d: {  	v14 =	vld.idx.msk [tilespmem:v56+s13+$0x0], $0xffff;
	[tilespmem:s23+$0xFFFFFFC0] =	vst v5;
	v5 =	vor.u32 $0x2, v10  }
0x3e: {  	v61 =	vor.u32 $0x3, v2;
	v63 =	vld.idx.msk [tilespmem:v58+s13+$0x0], $0xffff;
	[tilespmem:s23+$0xFFFFFFE0] =	vst v6  }
0x3f: {  	v62 =	vor.u32 $0x3, v3;
	v60 =	vld.idx.msk [tilespmem:v55+s13+$0x0], $0xffff;
	[tilespmem:s23+$0x70] =	vst v12  }
0x40: {  	v7 =	vor.u32 $0x3, v7;
	[tilespmem:s23+$0x10] =	vst v57;
	v0 =	vld.idx.msk [tilespmem:v0+s13+$0x0], $0xffff  }
0x41: {  	v6 =	vor.u32 $0x3, v4;
	[tilespmem:s23+$0x20] =	vst v59;
	v2 =	vld.idx.msk [tilespmem:v1+s13+$0x0], $0xffff  }
0x42: {  	[tilespmem:s23+$0x30] =	vst v9;
	v5 =	vld.idx.msk [tilespmem:v5+s13+$0x0], $0xffff  }
0x43: {  	[tilespmem:s23+$0x0] =	vst v14;
	v3 =	vld.idx.msk [tilespmem:v61+s13+$0x0], $0xffff  }
0x44: {  	[tilespmem:s23+$0x50] =	vst v63;
	v4 =	vld.idx.msk [tilespmem:v62+s13+$0x0], $0xffff  }
0x45: {  	v7 =	vld.idx.msk [tilespmem:v7+s13+$0x0], $0xffff;
	[tilespmem:s23+$0x40] =	vst v60  }
0x46: {  	s24 =	simm.s32 $0x0;
	s25 =	simm.s32 $0xC0;
	v1 =	vor.u32 $0x3, v8;
	v6 =	vld.idx.msk [tilespmem:v6+s13+$0x0], $0xffff;
	[tilespmem:s23+$0xF0] =	vst v0;
	v0 =	vor.u32 $0x3, v10  }
.LBB2_2:
0x47: {  	v8 =	vld [tilespmem:s25+$0x30];
	s24 =	sadd.s32 $0x8, s24;
	[tilespmem:s23+$0x60] =	vst v5  }
0x48: {  	v5 =	vld [tilespmem:s25+$0xFFFFFFD0];
	p0 =	slt.u32 s24, $0xF8;
	[tilespmem:s23+$0x90] =	vst v2  }
0x49: {  	v2 =	vld [tilespmem:s25+$0xFFFFFFE0];
	[tilespmem:s23+$0xA0] =	vst v3  }
0x4a: {  	v3 =	vld [tilespmem:s25+$0xFFFFFFF0];
	[tilespmem:s23+$0xB0] =	vst v4  }
0x4b: {  	v4 =	vld [tilespmem:s25+$0x0];
	[tilespmem:s23+$0xC0] =	vst v6  }
0x4c: {  	v6 =	vld [tilespmem:s25+$0x10];
	v8 =	vshll.u32 v8, $0x2;
	[tilespmem:s23+$0x80] =	vst v7  }
0x4d: {  	v5 =	vshll.u32 v5, $0x2;
	v7 =	vld [tilespmem:s25+$0x20]  }
0x4e: {  	v9 =	vld [tilespmem:s25+$0xFFFFFFC0];
	v10 =	vor.u32 $0x1, v5;
	v11 =	vor.u32 $0x2, v5;
	v2 =	vshll.u32 v2, $0x2  }
0x4f: {  	v12 =	vor.u32 $0x1, v2;
	v13 =	vor.u32 $0x2, v2;
	v3 =	vshll.u32 v3, $0x2;
	v1 =	vld.idx.msk [tilespmem:v1+s13+$0x0], $0xffff  }
0x50: {  	v14 =	vor.u32 $0x1, v3;
	v15 =	vor.u32 $0x2, v3;
	v4 =	vshll.u32 v4, $0x2;
	v0 =	vld.idx.msk [tilespmem:v0+s13+$0x0], $0xffff  }
0x51: {  	v16 =	vor.u32 $0x1, v4;
	v17 =	vor.u32 $0x2, v4;
	v6 =	vshll.u32 v6, $0x2;
	v18 =	vld.idx.msk [tilespmem:v8+s13+$0x0], $0xffff  }
0x52: {  	v19 =	vld.idx.msk [tilespmem:v5+s13+$0x0], $0xffff;
	v20 =	vor.u32 $0x1, v6;
	v21 =	vor.u32 $0x2, v6;
	v7 =	vshll.u32 v7, $0x2  }
0x53: {  	v24 =	vor.u32 $0x1, v8;
	v9 =	vshll.u32 v9, $0x2;
	v22 =	vld.idx.msk [tilespmem:v2+s13+$0x0], $0xffff;
	v23 =	vor.u32 $0x1, v7  }
0x54: {  	v28 =	vor.u32 $0x2, v7;
	v25 =	vor.u32 $0x1, v9;
	v26 =	vor.u32 $0x2, v9;
	v27 =	vld.idx.msk [tilespmem:v3+s13+$0x0], $0xffff  }
0x55: {  	v30 =	vor.u32 $0x3, v5;
	v31 =	vor.u32 $0x3, v2;
	v29 =	vor.u32 $0x3, v9;
	v2 =	vld.idx.msk [tilespmem:v4+s13+$0x0], $0xffff;
	[tilespmem:s23+$0xD0] =	vst v1  }
0x56: {  	v32 =	vor.u32 $0x3, v3;
	v33 =	vor.u32 $0x3, v4;
	v1 =	vor.u32 $0x3, v6;
	v3 =	vld.idx.msk [tilespmem:v6+s13+$0x0], $0xffff;
	[tilespmem:s23+$0xE0] =	vst v0;
	s23 =	sadd.s32 $0x200, s23  }
0x57: {  	v0 =	vor.u32 $0x3, v7;
	v4 =	vld.idx.msk [tilespmem:v7+s13+$0x0], $0xffff;
	[tilespmem:s23+$0xFFFFFF70] =	vst v18  }
0x58: {  	[tilespmem:s23+$0xFFFFFF10] =	vst v19;
	v5 =	vld.idx.msk [tilespmem:v24+s13+$0x0], $0xffff  }
0x59: {  	v6 =	vld.idx.msk [tilespmem:v9+s13+$0x0], $0xffff;
	[tilespmem:s23+$0xFFFFFF20] =	vst v22  }
0x5a: {  	v9 =	vor.u32 $0x2, v8;
	v7 =	vld.idx.msk [tilespmem:v10+s13+$0x0], $0xffff;
	[tilespmem:s23+$0xFFFFFF30] =	vst v27  }
0x5b: {  	v10 =	vld.idx.msk [tilespmem:v12+s13+$0x0], $0xffff;
	[tilespmem:s23+$0xFFFFFF40] =	vst v2  }
0x5c: {  	v2 =	vld.idx.msk [tilespmem:v14+s13+$0x0], $0xffff;
	[tilespmem:s23+$0xFFFFFF50] =	vst v3  }
0x5d: {  	v3 =	vld.idx.msk [tilespmem:v16+s13+$0x0], $0xffff;
	[tilespmem:s23+$0xFFFFFF60] =	vst v4  }
0x5e: {  	v4 =	vld.idx.msk [tilespmem:v20+s13+$0x0], $0xffff;
	[tilespmem:s23+$0xFFFFFFF0] =	vst v5  }
0x5f: {  	[tilespmem:s23+$0xFFFFFF00] =	vst v6;
	v5 =	vld.idx.msk [tilespmem:v9+s13+$0x0], $0xffff  }
0x60: {  	v6 =	vld.idx.msk [tilespmem:v25+s13+$0x0], $0xffff;
	[tilespmem:s23+$0xFFFFFF90] =	vst v7  }
0x61: {  	v8 =	vor.u32 $0x3, v8;
	[tilespmem:s23+$0xFFFFFFA0] =	vst v10;
	v7 =	vld.idx.msk [tilespmem:v23+s13+$0x0], $0xffff  }
0x62: {  	v9 =	vld.idx.msk [tilespmem:v11+s13+$0x0], $0xffff;
	[tilespmem:s23+$0xFFFFFFB0] =	vst v2  }
0x63: {  	v2 =	vld.idx.msk [tilespmem:v13+s13+$0x0], $0xffff;
	[tilespmem:s23+$0xFFFFFFC0] =	vst v3  }
0x64: {  	v3 =	vld.idx.msk [tilespmem:v15+s13+$0x0], $0xffff;
	[tilespmem:s23+$0xFFFFFFD0] =	vst v4  }
0x65: {  	v4 =	vld.idx.msk [tilespmem:v17+s13+$0x0], $0xffff;
	[tilespmem:s23+$0x70] =	vst v5  }
0x66: {  	[tilespmem:s23+$0xFFFFFF80] =	vst v6;
	v6 =	vld.idx.msk [tilespmem:v8+s13+$0x0], $0xffff  }
0x67: {  	v8 =	vld.idx.msk [tilespmem:v26+s13+$0x0], $0xffff;
	[tilespmem:s23+$0xFFFFFFE0] =	vst v7  }
0x68: {  	[tilespmem:s23+$0x10] =	vst v9;
	v9 =	vld.idx.msk [tilespmem:v21+s13+$0x0], $0xffff  }
0x69: {  	[tilespmem:s23+$0x20] =	vst v2;
	v5 =	vld.idx.msk [tilespmem:v28+s13+$0x0], $0xffff  }
.Ltmp0:
0x6a: {  	v2 =	vld.idx.msk [tilespmem:v30+s13+$0x0], $0xffff;
	[tilespmem:s23+$0x30] =	vst v3;
	(pc) =	sbr.rel @p0 .LBB2_2-.Ltmp0, $4  }
0x6b: {  	v3 =	vld.idx.msk [tilespmem:v31+s13+$0x0], $0xffff;
	[tilespmem:s23+$0x40] =	vst v4  }
0x6c: {  	v4 =	vld.idx.msk [tilespmem:v32+s13+$0x0], $0xffff;
	[tilespmem:s23+$0xF0] =	vst v6  }
0x6d: {  	[tilespmem:s23+$0x0] =	vst v8;
	v6 =	vld.idx.msk [tilespmem:v33+s13+$0x0], $0xffff  }
0x6e: {  	s25 =	sadd.s32 $0x80, s25;
	v7 =	vld.idx.msk [tilespmem:v29+s13+$0x0], $0xffff;
	[tilespmem:s23+$0x50] =	vst v9  }
0x6f: {  	_ =	sdelay $0x2  }
0x70: {  	[tilespmem:s23+$0x60] =	vst v5  }
0x71: {  	[tilespmem:s23+$0x90] =	vst v2;
	v1 =	vld.idx.msk [tilespmem:v1+s13+$0x0], $0xffff  }
0x72: {  	[tilespmem:s23+$0xA0] =	vst v3;
	v0 =	vld.idx.msk [tilespmem:v0+s13+$0x0], $0xffff  }
0x73: {  	[tilespmem:s23+$0xB0] =	vst v4  }
0x74: {  	[tilespmem:s23+$0xC0] =	vst v6  }
0x75: {  	[tilespmem:s23+$0x80] =	vst v7  }
0x76: {  	[tilespmem:s23+$0xD0] =	vst v1  }
0x77: {  	[tilespmem:s23+$0xE0] =	vst v0;
	s23 =	simm.s32 $0x0  }
0x78: {  	[hbm4b:s9+s23] =	stream.linear.scatter [tilespmem:s17], [sflag:$0x3], $0x4000, $0x38;
	[tilespmem:$0xA080] =	vst v63  }
.LBB2_4:
0x79: {  	s24 =	sshll.u32 s23, $0x1  }
0x7a: {  	s25 =	sadd.s32 s6, s24  }
0x7b: {  	s26 =	sadd.s32 $0x1, s25  }
0x7c: {  	s28 =	sshll.u32 s26, $0x5  }
0x7d: {  	s29 =	sshll.u32 s26, $0xC;
	s24 =	sand.u32 $0x60, s28  }
0x7e: {  	s29 =	sand.u32 $0xFFFE0000, s29;
	s30 =	sshll.u32 s24, $0xA  }
0x7f: {  	s28 =	sand.u32 $0x380, s28;
	s29 =	sor.u32 s30, s29  }
0x80: {  	_ =	swait.ge [sflag:s18], $0x1000;
	s28 =	sor.u32 s28, s29  }
0x81: {  	[sflag:s18] =	ssyncset.done $0x0;
	s28 =	sshrl.u32 s28, $0x3  }
0x82: {  	p0 =	seq.s32 s23, $0x0;
	[sflag:s18] =	ssyncadd.s32 $0xFFFFF000;
	s28 =	sadd.s32 s1, s28  }
0x83: {  	[tilespmem:s4], [sflag:$0x1] =	stream.strided.gather [hbm4b:s28+s11], $0x1000, s12, s11, $0x38;
	[tilespmem:$0xA080] =	vst v63  }
0x84: {  	s28 =	simm.s32 @!p0 $0x4  }
0x85: {  	_ =	swait.ge @!p0 [sflag:s28], $0x4000  }
0x86: {  	[sflag:s28] =	ssyncset.done @!p0 $0x0  }
0x87: {  	[sflag:s28] =	ssyncadd.s32 @!p0 $0xFFFFC000;
	s28 =	simm.s32 $0x1040  }
0x88: {  	v0 =	vld [tilespmem:s28+$0x30]  }
0x89: {  	v1 =	vld [tilespmem:s28+$0xFFFFFFD0]  }
0x8a: {  	v2 =	vld [tilespmem:s28+$0xFFFFFFE0]  }
0x8b: {  	v3 =	vld [tilespmem:s28+$0xFFFFFFF0]  }
0x8c: {  	v4 =	vld [tilespmem:s28+$0x0]  }
0x8d: {  	v5 =	vld [tilespmem:s28+$0x10];
	v0 =	vshll.u32 v0, $0x2  }
0x8e: {  	v6 =	vld [tilespmem:s28+$0x20];
	v1 =	vshll.u32 v1, $0x2  }
0x8f: {  	v7 =	vld [tilespmem:s28+$0xFFFFFFC0];
	v2 =	vshll.u32 v2, $0x2  }
0x90: {  	v3 =	vshll.u32 v3, $0x2  }
0x91: {  	v4 =	vshll.u32 v4, $0x2  }
0x92: {  	v8 =	vshll.u32 v5, $0x2;
	v5 =	vld.idx.msk [tilespmem:v0+s13+$0x0], $0xffff  }
0x93: {  	v10 =	vshll.u32 v6, $0x2;
	v9 =	vld.idx.msk [tilespmem:v1+s13+$0x0], $0xffff  }
0x94: {  	v7 =	vshll.u32 v7, $0x2;
	v6 =	vld.idx.msk [tilespmem:v2+s13+$0x0], $0xffff  }
0x95: {  	v11 =	vor.u32 $0x1, v0;
	v12 =	vld.idx.msk [tilespmem:v3+s13+$0x0], $0xffff  }
0x96: {  	v13 =	vor.u32 $0x1, v1;
	v14 =	vld.idx.msk [tilespmem:v4+s13+$0x0], $0xffff  }
0x97: {  	s28 =	simm.s32 $0x6100;
	v15 =	vor.u32 $0x1, v2;
	v16 =	vld.idx.msk [tilespmem:v8+s13+$0x0], $0xffff  }
0x98: {  	v17 =	vor.u32 $0x1, v3;
	v18 =	vld.idx.msk [tilespmem:v10+s13+$0x0], $0xffff;
	[tilespmem:s28+$0xFFFFFF70] =	vst v5  }
0x99: {  	v48 =	vor.u32 $0x1, v8;
	v19 =	vld.idx.msk [tilespmem:v7+s13+$0x0], $0xffff;
	[tilespmem:s28+$0xFFFFFF10] =	vst v9  }
0x9a: {  	v50 =	vor.u32 $0x1, v7;
	[tilespmem:s28+$0xFFFFFF20] =	vst v6;
	v47 =	vld.idx.msk [tilespmem:v11+s13+$0x0], $0xffff  }
0x9b: {  	v5 =	vor.u32 $0x1, v4;
	[tilespmem:s28+$0xFFFFFF30] =	vst v12;
	v6 =	vld.idx.msk [tilespmem:v13+s13+$0x0], $0xffff  }
0x9c: {  	v51 =	vor.u32 $0x1, v10;
	[tilespmem:s28+$0xFFFFFF40] =	vst v14;
	v15 =	vld.idx.msk [tilespmem:v15+s13+$0x0], $0xffff  }
0x9d: {  	v49 =	vor.u32 $0x2, v0;
	[tilespmem:s28+$0xFFFFFF50] =	vst v16;
	v17 =	vld.idx.msk [tilespmem:v17+s13+$0x0], $0xffff  }
0x9e: {  	v52 =	vor.u32 $0x2, v1;
	[tilespmem:s28+$0xFFFFFF00] =	vst v19;
	v11 =	vld.idx.msk [tilespmem:v48+s13+$0x0], $0xffff  }
0x9f: {  	v53 =	vor.u32 $0x2, v2;
	[tilespmem:s28+$0xFFFFFF60] =	vst v18;
	v13 =	vld.idx.msk [tilespmem:v50+s13+$0x0], $0xffff  }
0xa0: {  	v54 =	vor.u32 $0x2, v3;
	v5 =	vld.idx.msk [tilespmem:v5+s13+$0x0], $0xffff;
	[tilespmem:s28+$0xFFFFFFF0] =	vst v47  }
0xa1: {  	v56 =	vor.u32 $0x2, v7;
	[tilespmem:s28+$0xFFFFFF90] =	vst v6;
	v6 =	vld.idx.msk [tilespmem:v51+s13+$0x0], $0xffff  }
0xa2: {  	v58 =	vor.u32 $0x2, v8;
	[tilespmem:s28+$0xFFFFFFA0] =	vst v15;
	v12 =	vld.idx.msk [tilespmem:v49+s13+$0x0], $0xffff  }
0xa3: {  	v55 =	vor.u32 $0x2, v4;
	[tilespmem:s28+$0xFFFFFFB0] =	vst v17;
	v57 =	vld.idx.msk [tilespmem:v52+s13+$0x0], $0xffff  }
0xa4: {  	v0 =	vor.u32 $0x3, v0;
	[tilespmem:s28+$0xFFFFFFD0] =	vst v11;
	v59 =	vld.idx.msk [tilespmem:v53+s13+$0x0], $0xffff  }
0xa5: {  	v1 =	vor.u32 $0x3, v1;
	[tilespmem:s28+$0xFFFFFF80] =	vst v13;
	v9 =	vld.idx.msk [tilespmem:v54+s13+$0x0], $0xffff  }
0xa6: {  	v14 =	vld.idx.msk [tilespmem:v56+s13+$0x0], $0xffff;
	[tilespmem:s28+$0xFFFFFFC0] =	vst v5;
	v5 =	vor.u32 $0x2, v10  }
0xa7: {  	v61 =	vor.u32 $0x3, v2;
	v63 =	vld.idx.msk [tilespmem:v58+s13+$0x0], $0xffff;
	[tilespmem:s28+$0xFFFFFFE0] =	vst v6  }
0xa8: {  	v62 =	vor.u32 $0x3, v3;
	v60 =	vld.idx.msk [tilespmem:v55+s13+$0x0], $0xffff;
	[tilespmem:s28+$0x70] =	vst v12  }
0xa9: {  	v7 =	vor.u32 $0x3, v7;
	[tilespmem:s28+$0x10] =	vst v57;
	v0 =	vld.idx.msk [tilespmem:v0+s13+$0x0], $0xffff  }
0xaa: {  	v6 =	vor.u32 $0x3, v4;
	[tilespmem:s28+$0x20] =	vst v59;
	v2 =	vld.idx.msk [tilespmem:v1+s13+$0x0], $0xffff  }
0xab: {  	[tilespmem:s28+$0x30] =	vst v9;
	v5 =	vld.idx.msk [tilespmem:v5+s13+$0x0], $0xffff  }
0xac: {  	[tilespmem:s28+$0x0] =	vst v14;
	v3 =	vld.idx.msk [tilespmem:v61+s13+$0x0], $0xffff  }
0xad: {  	[tilespmem:s28+$0x50] =	vst v63;
	v4 =	vld.idx.msk [tilespmem:v62+s13+$0x0], $0xffff  }
0xae: {  	v7 =	vld.idx.msk [tilespmem:v7+s13+$0x0], $0xffff;
	[tilespmem:s28+$0x40] =	vst v60  }
0xaf: {  	s26 =	sshrl.u32 s26, $0x2;
	s30 =	simm.s32 $0x10C0;
	s29 =	simm.s32 $0x0;
	v1 =	vor.u32 $0x3, v8;
	v6 =	vld.idx.msk [tilespmem:v6+s13+$0x0], $0xffff;
	[tilespmem:s28+$0xF0] =	vst v0;
	v0 =	vor.u32 $0x3, v10  }
.LBB2_5:
0xb0: {  	v8 =	vld [tilespmem:s30+$0x30];
	s29 =	sadd.s32 $0x8, s29;
	[tilespmem:s28+$0x60] =	vst v5  }
0xb1: {  	v5 =	vld [tilespmem:s30+$0xFFFFFFD0];
	p0 =	slt.u32 s29, $0xF8;
	[tilespmem:s28+$0x90] =	vst v2  }
0xb2: {  	v2 =	vld [tilespmem:s30+$0xFFFFFFE0];
	[tilespmem:s28+$0xA0] =	vst v3  }
0xb3: {  	v3 =	vld [tilespmem:s30+$0xFFFFFFF0];
	[tilespmem:s28+$0xB0] =	vst v4  }
0xb4: {  	v4 =	vld [tilespmem:s30+$0x0];
	[tilespmem:s28+$0xC0] =	vst v6  }
0xb5: {  	v6 =	vld [tilespmem:s30+$0x10];
	v8 =	vshll.u32 v8, $0x2;
	[tilespmem:s28+$0x80] =	vst v7  }
0xb6: {  	v5 =	vshll.u32 v5, $0x2;
	v7 =	vld [tilespmem:s30+$0x20]  }
0xb7: {  	v9 =	vld [tilespmem:s30+$0xFFFFFFC0];
	v10 =	vor.u32 $0x1, v5;
	v11 =	vor.u32 $0x2, v5;
	v2 =	vshll.u32 v2, $0x2  }
0xb8: {  	v12 =	vor.u32 $0x1, v2;
	v13 =	vor.u32 $0x2, v2;
	v3 =	vshll.u32 v3, $0x2;
	v1 =	vld.idx.msk [tilespmem:v1+s13+$0x0], $0xffff  }
0xb9: {  	v14 =	vor.u32 $0x1, v3;
	v15 =	vor.u32 $0x2, v3;
	v4 =	vshll.u32 v4, $0x2;
	v0 =	vld.idx.msk [tilespmem:v0+s13+$0x0], $0xffff  }
0xba: {  	v16 =	vor.u32 $0x1, v4;
	v17 =	vor.u32 $0x2, v4;
	v6 =	vshll.u32 v6, $0x2;
	v18 =	vld.idx.msk [tilespmem:v8+s13+$0x0], $0xffff  }
0xbb: {  	v19 =	vld.idx.msk [tilespmem:v5+s13+$0x0], $0xffff;
	v20 =	vor.u32 $0x1, v6;
	v21 =	vor.u32 $0x2, v6;
	v7 =	vshll.u32 v7, $0x2  }
0xbc: {  	v24 =	vor.u32 $0x1, v8;
	v9 =	vshll.u32 v9, $0x2;
	v22 =	vld.idx.msk [tilespmem:v2+s13+$0x0], $0xffff;
	v23 =	vor.u32 $0x1, v7  }
0xbd: {  	v28 =	vor.u32 $0x2, v7;
	v25 =	vor.u32 $0x1, v9;
	v26 =	vor.u32 $0x2, v9;
	v27 =	vld.idx.msk [tilespmem:v3+s13+$0x0], $0xffff  }
0xbe: {  	v30 =	vor.u32 $0x3, v5;
	v31 =	vor.u32 $0x3, v2;
	v29 =	vor.u32 $0x3, v9;
	v2 =	vld.idx.msk [tilespmem:v4+s13+$0x0], $0xffff;
	[tilespmem:s28+$0xD0] =	vst v1  }
0xbf: {  	v32 =	vor.u32 $0x3, v3;
	v33 =	vor.u32 $0x3, v4;
	v1 =	vor.u32 $0x3, v6;
	v3 =	vld.idx.msk [tilespmem:v6+s13+$0x0], $0xffff;
	[tilespmem:s28+$0xE0] =	vst v0;
	s28 =	sadd.s32 $0x200, s28  }
0xc0: {  	v0 =	vor.u32 $0x3, v7;
	v4 =	vld.idx.msk [tilespmem:v7+s13+$0x0], $0xffff;
	[tilespmem:s28+$0xFFFFFF70] =	vst v18  }
0xc1: {  	[tilespmem:s28+$0xFFFFFF10] =	vst v19;
	v5 =	vld.idx.msk [tilespmem:v24+s13+$0x0], $0xffff  }
0xc2: {  	v6 =	vld.idx.msk [tilespmem:v9+s13+$0x0], $0xffff;
	[tilespmem:s28+$0xFFFFFF20] =	vst v22  }
0xc3: {  	v9 =	vor.u32 $0x2, v8;
	v7 =	vld.idx.msk [tilespmem:v10+s13+$0x0], $0xffff;
	[tilespmem:s28+$0xFFFFFF30] =	vst v27  }
0xc4: {  	v10 =	vld.idx.msk [tilespmem:v12+s13+$0x0], $0xffff;
	[tilespmem:s28+$0xFFFFFF40] =	vst v2  }
0xc5: {  	v2 =	vld.idx.msk [tilespmem:v14+s13+$0x0], $0xffff;
	[tilespmem:s28+$0xFFFFFF50] =	vst v3  }
0xc6: {  	v3 =	vld.idx.msk [tilespmem:v16+s13+$0x0], $0xffff;
	[tilespmem:s28+$0xFFFFFF60] =	vst v4  }
0xc7: {  	v4 =	vld.idx.msk [tilespmem:v20+s13+$0x0], $0xffff;
	[tilespmem:s28+$0xFFFFFFF0] =	vst v5  }
0xc8: {  	[tilespmem:s28+$0xFFFFFF00] =	vst v6;
	v5 =	vld.idx.msk [tilespmem:v9+s13+$0x0], $0xffff  }
0xc9: {  	v6 =	vld.idx.msk [tilespmem:v25+s13+$0x0], $0xffff;
	[tilespmem:s28+$0xFFFFFF90] =	vst v7  }
0xca: {  	v8 =	vor.u32 $0x3, v8;
	[tilespmem:s28+$0xFFFFFFA0] =	vst v10;
	v7 =	vld.idx.msk [tilespmem:v23+s13+$0x0], $0xffff  }
0xcb: {  	v9 =	vld.idx.msk [tilespmem:v11+s13+$0x0], $0xffff;
	[tilespmem:s28+$0xFFFFFFB0] =	vst v2  }
0xcc: {  	v2 =	vld.idx.msk [tilespmem:v13+s13+$0x0], $0xffff;
	[tilespmem:s28+$0xFFFFFFC0] =	vst v3  }
0xcd: {  	v3 =	vld.idx.msk [tilespmem:v15+s13+$0x0], $0xffff;
	[tilespmem:s28+$0xFFFFFFD0] =	vst v4  }
0xce: {  	v4 =	vld.idx.msk [tilespmem:v17+s13+$0x0], $0xffff;
	[tilespmem:s28+$0x70] =	vst v5  }
0xcf: {  	[tilespmem:s28+$0xFFFFFF80] =	vst v6;
	v6 =	vld.idx.msk [tilespmem:v8+s13+$0x0], $0xffff  }
0xd0: {  	v8 =	vld.idx.msk [tilespmem:v26+s13+$0x0], $0xffff;
	[tilespmem:s28+$0xFFFFFFE0] =	vst v7  }
0xd1: {  	[tilespmem:s28+$0x10] =	vst v9;
	v9 =	vld.idx.msk [tilespmem:v21+s13+$0x0], $0xffff  }
0xd2: {  	[tilespmem:s28+$0x20] =	vst v2;
	v5 =	vld.idx.msk [tilespmem:v28+s13+$0x0], $0xffff  }
.Ltmp1:
0xd3: {  	v2 =	vld.idx.msk [tilespmem:v30+s13+$0x0], $0xffff;
	[tilespmem:s28+$0x30] =	vst v3;
	(pc) =	sbr.rel @p0 .LBB2_5-.Ltmp1, $4  }
0xd4: {  	v3 =	vld.idx.msk [tilespmem:v31+s13+$0x0], $0xffff;
	[tilespmem:s28+$0x40] =	vst v4  }
0xd5: {  	v4 =	vld.idx.msk [tilespmem:v32+s13+$0x0], $0xffff;
	[tilespmem:s28+$0xF0] =	vst v6  }
0xd6: {  	[tilespmem:s28+$0x0] =	vst v8;
	v6 =	vld.idx.msk [tilespmem:v33+s13+$0x0], $0xffff  }
0xd7: {  	s30 =	sadd.s32 $0x80, s30;
	v7 =	vld.idx.msk [tilespmem:v29+s13+$0x0], $0xffff;
	[tilespmem:s28+$0x50] =	vst v9  }
0xd8: {  	_ =	sdelay $0x2  }
0xd9: {  	[tilespmem:s28+$0x60] =	vst v5  }
0xda: {  	[tilespmem:s28+$0x90] =	vst v2;
	v1 =	vld.idx.msk [tilespmem:v1+s13+$0x0], $0xffff  }
0xdb: {  	[tilespmem:s28+$0xA0] =	vst v3;
	v0 =	vld.idx.msk [tilespmem:v0+s13+$0x0], $0xffff  }
0xdc: {  	[tilespmem:s28+$0xB0] =	vst v4  }
0xdd: {  	[tilespmem:s28+$0xC0] =	vst v6  }
0xde: {  	s29 =	sshll.u32 s25, $0xB;
	[tilespmem:s28+$0x80] =	vst v7  }
0xdf: {  	p0 =	seq.s32 s23, $0xB;
	s29 =	sand.u32 $0xFFFF800, s29;
	[tilespmem:s28+$0xD0] =	vst v1  }
0xe0: {  	s25 =	sadd.s32 @!p0 $0x2, s25;
	[tilespmem:s28+$0xE0] =	vst v0;
	s28 =	sadd.s32 s3, s29  }
0xe1: {  	[hbm4b:s28+s4] =	stream.linear.scatter [tilespmem:s19], [sflag:$0x4], $0x4000, $0x38;
	[tilespmem:$0xA080] =	vst v63  }
0xe2: {  	s29 =	sshll.u32 @!p0 s25, $0xF;
	s28 =	sshll.u32 @!p0 s25, $0xC  }
0xe3: {  	s29 =	sand.u32 @!p0 $0x18000, s29;
	s25 =	sshll.u32 @!p0 s25, $0x5;
	s28 =	sand.u32 @!p0 $0xFFFE0000, s28  }
0xe4: {  	s25 =	sand.u32 @!p0 $0x380, s25;
	s28 =	sor.u32 @!p0 s29, s28  }
0xe5: {  	s30 =	simm.s32 @!p0 $0x1000;
	_ =	swait.ge [sflag:s15], $0x1000;
	s25 =	sor.u32 @!p0 s25, s28  }
0xe6: {  	[sflag:s15] =	ssyncset.done $0x0;
	s29 =	simm.s32 @!p0 $0x400;
	s25 =	sshrl.u32 @!p0 s25, $0x3  }
0xe7: {  	[sflag:s15] =	ssyncadd.s32 $0xFFFFF000;
	s28 =	simm.s32 @!p0 $0x80;
	s25 =	sadd.s32 @!p0 s1, s25  }
0xe8: {  	[tilespmem:s30], [sflag:$0x2] =	stream.strided.gather @!p0 [hbm4b:s25+s28], $0x1000, s29, s28, $0x38;
	[tilespmem:$0xA080] =	vst v63  }
0xe9: {  	_ =	swait.ge [sflag:s20], $0x4000  }
0xea: {  	[sflag:s20] =	ssyncset.done $0x0  }
0xeb: {  	s31 =	simm.s32 $0x40;
	[sflag:s20] =	ssyncadd.s32 $0xFFFFC000  }
0xec: {  	v0 =	vld [tilespmem:s31+$0x30]  }
0xed: {  	v1 =	vld [tilespmem:s31+$0xFFFFFFD0]  }
0xee: {  	v2 =	vld [tilespmem:s31+$0xFFFFFFE0]  }
0xef: {  	v3 =	vld [tilespmem:s31+$0xFFFFFFF0]  }
0xf0: {  	v4 =	vld [tilespmem:s31+$0x0]  }
0xf1: {  	v5 =	vld [tilespmem:s31+$0x10];
	v0 =	vshll.u32 v0, $0x2  }
0xf2: {  	v6 =	vld [tilespmem:s31+$0x20];
	v1 =	vshll.u32 v1, $0x2  }
0xf3: {  	v7 =	vld [tilespmem:s31+$0xFFFFFFC0];
	v2 =	vshll.u32 v2, $0x2  }
0xf4: {  	v3 =	vshll.u32 v3, $0x2  }
0xf5: {  	v4 =	vshll.u32 v4, $0x2  }
0xf6: {  	v8 =	vshll.u32 v5, $0x2;
	v5 =	vld.idx.msk [tilespmem:v0+s13+$0x0], $0xffff  }
0xf7: {  	v10 =	vshll.u32 v6, $0x2;
	v9 =	vld.idx.msk [tilespmem:v1+s13+$0x0], $0xffff  }
0xf8: {  	v7 =	vshll.u32 v7, $0x2;
	v6 =	vld.idx.msk [tilespmem:v2+s13+$0x0], $0xffff  }
0xf9: {  	v11 =	vor.u32 $0x1, v0;
	v12 =	vld.idx.msk [tilespmem:v3+s13+$0x0], $0xffff  }
0xfa: {  	v13 =	vor.u32 $0x1, v1;
	v14 =	vld.idx.msk [tilespmem:v4+s13+$0x0], $0xffff  }
0xfb: {  	s25 =	simm.s32 $0x2100;
	v15 =	vor.u32 $0x1, v2;
	v16 =	vld.idx.msk [tilespmem:v8+s13+$0x0], $0xffff  }
0xfc: {  	v17 =	vor.u32 $0x1, v3;
	v18 =	vld.idx.msk [tilespmem:v10+s13+$0x0], $0xffff;
	[tilespmem:s25+$0xFFFFFF70] =	vst v5  }
0xfd: {  	v48 =	vor.u32 $0x1, v8;
	v19 =	vld.idx.msk [tilespmem:v7+s13+$0x0], $0xffff;
	[tilespmem:s25+$0xFFFFFF10] =	vst v9  }
0xfe: {  	v50 =	vor.u32 $0x1, v7;
	[tilespmem:s25+$0xFFFFFF20] =	vst v6;
	v47 =	vld.idx.msk [tilespmem:v11+s13+$0x0], $0xffff  }
0xff: {  	v5 =	vor.u32 $0x1, v4;
	[tilespmem:s25+$0xFFFFFF30] =	vst v12;
	v6 =	vld.idx.msk [tilespmem:v13+s13+$0x0], $0xffff  }
0x100: {  	v51 =	vor.u32 $0x1, v10;
	[tilespmem:s25+$0xFFFFFF40] =	vst v14;
	v15 =	vld.idx.msk [tilespmem:v15+s13+$0x0], $0xffff  }
0x101: {  	v49 =	vor.u32 $0x2, v0;
	[tilespmem:s25+$0xFFFFFF50] =	vst v16;
	v17 =	vld.idx.msk [tilespmem:v17+s13+$0x0], $0xffff  }
0x102: {  	v52 =	vor.u32 $0x2, v1;
	[tilespmem:s25+$0xFFFFFF00] =	vst v19;
	v11 =	vld.idx.msk [tilespmem:v48+s13+$0x0], $0xffff  }
0x103: {  	v53 =	vor.u32 $0x2, v2;
	[tilespmem:s25+$0xFFFFFF60] =	vst v18;
	v13 =	vld.idx.msk [tilespmem:v50+s13+$0x0], $0xffff  }
0x104: {  	v54 =	vor.u32 $0x2, v3;
	v5 =	vld.idx.msk [tilespmem:v5+s13+$0x0], $0xffff;
	[tilespmem:s25+$0xFFFFFFF0] =	vst v47  }
0x105: {  	v56 =	vor.u32 $0x2, v7;
	[tilespmem:s25+$0xFFFFFF90] =	vst v6;
	v6 =	vld.idx.msk [tilespmem:v51+s13+$0x0], $0xffff  }
0x106: {  	v58 =	vor.u32 $0x2, v8;
	[tilespmem:s25+$0xFFFFFFA0] =	vst v15;
	v12 =	vld.idx.msk [tilespmem:v49+s13+$0x0], $0xffff  }
0x107: {  	v55 =	vor.u32 $0x2, v4;
	[tilespmem:s25+$0xFFFFFFB0] =	vst v17;
	v57 =	vld.idx.msk [tilespmem:v52+s13+$0x0], $0xffff  }
0x108: {  	v0 =	vor.u32 $0x3, v0;
	[tilespmem:s25+$0xFFFFFFD0] =	vst v11;
	v59 =	vld.idx.msk [tilespmem:v53+s13+$0x0], $0xffff  }
0x109: {  	v1 =	vor.u32 $0x3, v1;
	[tilespmem:s25+$0xFFFFFF80] =	vst v13;
	v9 =	vld.idx.msk [tilespmem:v54+s13+$0x0], $0xffff  }
0x10a: {  	v14 =	vld.idx.msk [tilespmem:v56+s13+$0x0], $0xffff;
	[tilespmem:s25+$0xFFFFFFC0] =	vst v5;
	v5 =	vor.u32 $0x2, v10  }
0x10b: {  	v61 =	vor.u32 $0x3, v2;
	v63 =	vld.idx.msk [tilespmem:v58+s13+$0x0], $0xffff;
	[tilespmem:s25+$0xFFFFFFE0] =	vst v6  }
0x10c: {  	v7 =	vor.u32 $0x3, v7;
	v60 =	vld.idx.msk [tilespmem:v55+s13+$0x0], $0xffff;
	[tilespmem:s25+$0x70] =	vst v12  }
0x10d: {  	v62 =	vor.u32 $0x3, v3;
	[tilespmem:s25+$0x10] =	vst v57;
	v0 =	vld.idx.msk [tilespmem:v0+s13+$0x0], $0xffff  }
0x10e: {  	v6 =	vor.u32 $0x3, v4;
	[tilespmem:s25+$0x20] =	vst v59;
	v2 =	vld.idx.msk [tilespmem:v1+s13+$0x0], $0xffff  }
0x10f: {  	[tilespmem:s25+$0x30] =	vst v9;
	v3 =	vld.idx.msk [tilespmem:v5+s13+$0x0], $0xffff  }
0x110: {  	s26 =	sshll.u32 s26, $0x10;
	s24 =	sshll.u32 s24, $0x9;
	[tilespmem:s25+$0x0] =	vst v14;
	v4 =	vld.idx.msk [tilespmem:v61+s13+$0x0], $0xffff  }
0x111: {  	s24 =	sor.u32 s26, s24;
	[tilespmem:s25+$0x50] =	vst v63;
	v7 =	vld.idx.msk [tilespmem:v7+s13+$0x0], $0xffff  }
0x112: {  	s24 =	sshrl.u32 s24, $0x3;
	v5 =	vld.idx.msk [tilespmem:v62+s13+$0x0], $0xffff;
	[tilespmem:s25+$0x40] =	vst v60  }
0x113: {  	s26 =	simm.s32 $0x0;
	s24 =	sadd.s32 s3, s24;
	s28 =	simm.s32 $0xC0;
	v1 =	vor.u32 $0x3, v8;
	v6 =	vld.idx.msk [tilespmem:v6+s13+$0x0], $0xffff;
	[tilespmem:s25+$0xF0] =	vst v0;
	v0 =	vor.u32 $0x3, v10  }
.LBB2_7:
0x114: {  	v8 =	vld [tilespmem:s28+$0x30];
	s26 =	sadd.s32 $0x8, s26;
	[tilespmem:s25+$0x60] =	vst v3  }
0x115: {  	v3 =	vld [tilespmem:s28+$0xFFFFFFD0];
	p0 =	slt.u32 s26, $0xF8;
	[tilespmem:s25+$0x90] =	vst v2  }
0x116: {  	v2 =	vld [tilespmem:s28+$0xFFFFFFE0];
	[tilespmem:s25+$0xA0] =	vst v4  }
0x117: {  	v4 =	vld [tilespmem:s28+$0xFFFFFFF0];
	[tilespmem:s25+$0xB0] =	vst v5  }
0x118: {  	v5 =	vld [tilespmem:s28+$0x0];
	[tilespmem:s25+$0xC0] =	vst v6  }
0x119: {  	v6 =	vld [tilespmem:s28+$0x10];
	v8 =	vshll.u32 v8, $0x2;
	[tilespmem:s25+$0x80] =	vst v7  }
0x11a: {  	v3 =	vshll.u32 v3, $0x2;
	v7 =	vld [tilespmem:s28+$0x20]  }
0x11b: {  	v9 =	vld [tilespmem:s28+$0xFFFFFFC0];
	v10 =	vor.u32 $0x1, v3;
	v11 =	vor.u32 $0x2, v3;
	v2 =	vshll.u32 v2, $0x2  }
0x11c: {  	v12 =	vor.u32 $0x1, v2;
	v13 =	vor.u32 $0x2, v2;
	v4 =	vshll.u32 v4, $0x2;
	v1 =	vld.idx.msk [tilespmem:v1+s13+$0x0], $0xffff  }
0x11d: {  	v14 =	vor.u32 $0x1, v4;
	v15 =	vor.u32 $0x2, v4;
	v5 =	vshll.u32 v5, $0x2;
	v0 =	vld.idx.msk [tilespmem:v0+s13+$0x0], $0xffff  }
0x11e: {  	v16 =	vor.u32 $0x1, v5;
	v17 =	vor.u32 $0x2, v5;
	v6 =	vshll.u32 v6, $0x2;
	v18 =	vld.idx.msk [tilespmem:v8+s13+$0x0], $0xffff  }
0x11f: {  	v19 =	vld.idx.msk [tilespmem:v3+s13+$0x0], $0xffff;
	v20 =	vor.u32 $0x1, v6;
	v21 =	vor.u32 $0x2, v6;
	v7 =	vshll.u32 v7, $0x2  }
0x120: {  	v24 =	vor.u32 $0x1, v8;
	v9 =	vshll.u32 v9, $0x2;
	v22 =	vld.idx.msk [tilespmem:v2+s13+$0x0], $0xffff;
	v23 =	vor.u32 $0x1, v7  }
0x121: {  	v28 =	vor.u32 $0x2, v7;
	v25 =	vor.u32 $0x1, v9;
	v26 =	vor.u32 $0x2, v9;
	v27 =	vld.idx.msk [tilespmem:v4+s13+$0x0], $0xffff  }
0x122: {  	v30 =	vor.u32 $0x3, v3;
	v31 =	vor.u32 $0x3, v2;
	v29 =	vor.u32 $0x3, v9;
	v2 =	vld.idx.msk [tilespmem:v5+s13+$0x0], $0xffff;
	[tilespmem:s25+$0xD0] =	vst v1  }
0x123: {  	v32 =	vor.u32 $0x3, v4;
	v33 =	vor.u32 $0x3, v5;
	v1 =	vor.u32 $0x3, v6;
	v3 =	vld.idx.msk [tilespmem:v6+s13+$0x0], $0xffff;
	[tilespmem:s25+$0xE0] =	vst v0;
	s25 =	sadd.s32 $0x200, s25  }
0x124: {  	v0 =	vor.u32 $0x3, v7;
	v4 =	vld.idx.msk [tilespmem:v7+s13+$0x0], $0xffff;
	[tilespmem:s25+$0xFFFFFF70] =	vst v18  }
0x125: {  	[tilespmem:s25+$0xFFFFFF10] =	vst v19;
	v5 =	vld.idx.msk [tilespmem:v24+s13+$0x0], $0xffff  }
0x126: {  	v6 =	vld.idx.msk [tilespmem:v9+s13+$0x0], $0xffff;
	[tilespmem:s25+$0xFFFFFF20] =	vst v22  }
0x127: {  	v9 =	vor.u32 $0x2, v8;
	v7 =	vld.idx.msk [tilespmem:v10+s13+$0x0], $0xffff;
	[tilespmem:s25+$0xFFFFFF30] =	vst v27  }
0x128: {  	v10 =	vld.idx.msk [tilespmem:v12+s13+$0x0], $0xffff;
	[tilespmem:s25+$0xFFFFFF40] =	vst v2  }
0x129: {  	v2 =	vld.idx.msk [tilespmem:v14+s13+$0x0], $0xffff;
	[tilespmem:s25+$0xFFFFFF50] =	vst v3  }
0x12a: {  	v3 =	vld.idx.msk [tilespmem:v16+s13+$0x0], $0xffff;
	[tilespmem:s25+$0xFFFFFF60] =	vst v4  }
0x12b: {  	v4 =	vld.idx.msk [tilespmem:v20+s13+$0x0], $0xffff;
	[tilespmem:s25+$0xFFFFFFF0] =	vst v5  }
0x12c: {  	[tilespmem:s25+$0xFFFFFF00] =	vst v6;
	v5 =	vld.idx.msk [tilespmem:v9+s13+$0x0], $0xffff  }
0x12d: {  	v6 =	vld.idx.msk [tilespmem:v25+s13+$0x0], $0xffff;
	[tilespmem:s25+$0xFFFFFF90] =	vst v7  }
0x12e: {  	v8 =	vor.u32 $0x3, v8;
	[tilespmem:s25+$0xFFFFFFA0] =	vst v10;
	v7 =	vld.idx.msk [tilespmem:v23+s13+$0x0], $0xffff  }
0x12f: {  	v9 =	vld.idx.msk [tilespmem:v11+s13+$0x0], $0xffff;
	[tilespmem:s25+$0xFFFFFFB0] =	vst v2  }
0x130: {  	v2 =	vld.idx.msk [tilespmem:v13+s13+$0x0], $0xffff;
	[tilespmem:s25+$0xFFFFFFC0] =	vst v3  }
0x131: {  	v10 =	vld.idx.msk [tilespmem:v15+s13+$0x0], $0xffff;
	[tilespmem:s25+$0xFFFFFFD0] =	vst v4  }
0x132: {  	v11 =	vld.idx.msk [tilespmem:v17+s13+$0x0], $0xffff;
	[tilespmem:s25+$0x70] =	vst v5  }
0x133: {  	[tilespmem:s25+$0xFFFFFF80] =	vst v6;
	v6 =	vld.idx.msk [tilespmem:v8+s13+$0x0], $0xffff  }
0x134: {  	v8 =	vld.idx.msk [tilespmem:v26+s13+$0x0], $0xffff;
	[tilespmem:s25+$0xFFFFFFE0] =	vst v7  }
0x135: {  	[tilespmem:s25+$0x10] =	vst v9;
	v9 =	vld.idx.msk [tilespmem:v21+s13+$0x0], $0xffff  }
0x136: {  	[tilespmem:s25+$0x20] =	vst v2;
	v3 =	vld.idx.msk [tilespmem:v28+s13+$0x0], $0xffff  }
.Ltmp2:
0x137: {  	v2 =	vld.idx.msk [tilespmem:v30+s13+$0x0], $0xffff;
	[tilespmem:s25+$0x30] =	vst v10;
	(pc) =	sbr.rel @p0 .LBB2_7-.Ltmp2, $4  }
0x138: {  	v4 =	vld.idx.msk [tilespmem:v31+s13+$0x0], $0xffff;
	[tilespmem:s25+$0x40] =	vst v11  }
0x139: {  	v5 =	vld.idx.msk [tilespmem:v32+s13+$0x0], $0xffff;
	[tilespmem:s25+$0xF0] =	vst v6  }
0x13a: {  	[tilespmem:s25+$0x0] =	vst v8;
	v6 =	vld.idx.msk [tilespmem:v33+s13+$0x0], $0xffff  }
0x13b: {  	s28 =	sadd.s32 $0x80, s28;
	v7 =	vld.idx.msk [tilespmem:v29+s13+$0x0], $0xffff;
	[tilespmem:s25+$0x50] =	vst v9  }
0x13c: {  	_ =	sdelay $0x2  }
0x13d: {  	[tilespmem:s25+$0x60] =	vst v3  }
0x13e: {  	[tilespmem:s25+$0x90] =	vst v2;
	v1 =	vld.idx.msk [tilespmem:v1+s13+$0x0], $0xffff  }
0x13f: {  	s23 =	sadd.s32 $0x1, s23;
	[tilespmem:s25+$0xA0] =	vst v4;
	v0 =	vld.idx.msk [tilespmem:v0+s13+$0x0], $0xffff  }
0x140: {  	p0 =	sne.s32 s23, $0xC;
	[tilespmem:s25+$0xB0] =	vst v5  }
.Ltmp3:
0x141: {  	[tilespmem:s25+$0xC0] =	vst v6;
	(pc) =	sbr.rel @p0 .LBB2_4-.Ltmp3, $4  }
0x142: {  	[tilespmem:s25+$0x80] =	vst v7  }
0x143: {  	[tilespmem:s25+$0xD0] =	vst v1  }
0x144: {  	[tilespmem:s25+$0xE0] =	vst v0  }
0x145: {  	[hbm4b:s24+s4] =	stream.linear.scatter [tilespmem:s17], [sflag:$0x3], $0x4000, $0x38;
	[tilespmem:$0xA080] =	vst v63  }
0x146: {  	s22 =	sadd.s32 $0x1, s22  }
0x147: {  	_ =	swait.ge [sflag:s21], $0x4000;
	p0 =	sne.s32 s22, s10  }
.Ltmp4:
0x148: {  	[sflag:s21] =	ssyncset.done $0x0;
	(pc) =	sbr.rel @p0 .LBB2_1-.Ltmp4, $4  }
0x149: {  	[sflag:s21] =	ssyncadd.s32 $0xFFFFC000  }
0x14a: {  	_ =	swait.ge [sflag:s20], $0x4000  }
0x14b: {  	[sflag:s20] =	ssyncset.done $0x0  }
0x14c: {  	[sflag:s20] =	ssyncadd.s32 $0xFFFFC000  }
0x14d: {  	_ =	sfence.sel $0x180000  }
0x14e: {  	[bflag:$0x0] =	sbarrier.arrive $0xFFFF  }
0x14f: {  	p0 =	sne.s32 s0, $0x0;
	_ =	strace $0x90000047  }
0x150: {  	s0 =	sadd.s32 @!p0 $0x100000, s2;
	[bflag:$0x2] =	sbarrier.arrive $0xFFFF  }
0x151: {  	[sflag:s0] =	ssyncadd.tile.s32 @!p0 $0x1;
	_ =	shalt  }
.Lfunc_end2:
_tile_overlayer_lowered:
.L_overlay_start_2:
0x152: {  	(tag) =	ssettag $0x2  }
0x153: {  	s0 =	rddreg [dreg:$0x0];
	s2 =	stileid.u32  }
0x154: {  	s1 =	rddreg [dreg:$0x1];
	p0 =	sne.s32 s2, $0x0  }
0x155: {  	s3 =	rddreg [dreg:$0x2];
	[bflag:$0x3] =	sbarrier.arrive $0xFFFF;
	s2 =	simm.s32 @!p0 $0x1C05  }
0x156: {  	[timem:s3], [sflag:s2] =	dma.local @!p0 [hbm:s0], s1  }
0x157: {  	s0 =	simm.s32 @!p0 $0x5  }
0x158: {  	_ =	swait.ge @!p0 [sflag:s0], s1  }
0x159: {  	s1 =	ssub.s32 @!p0 $0x0, s1;
	[sflag:s0] =	ssyncset.done @!p0 $0x0  }
0x15a: {  	[sflag:s0] =	ssyncadd.s32 @!p0 s1  }
0x15b: {  	[bflag:$0x3] =	sbarrier.arrive $0xFFFF  }
0x15c: {  	_ =	shalt  }

</sc_bundles>
